<compile_context>
chip_gen: v7x
topology: tpu7x:2x2x1
jax: 0.10.2.dev20260603
libtpu: 0.0.44.dev20260713+nightly
codegen_flags: <defaults>
</compile_context>

<pallas_src>
import functools

import jax
import jax.numpy as jnp
from jax import lax
from jax.experimental import pallas as pl
from jax.experimental.pallas import tpu as pltpu
from jax.experimental.pallas import tpu_sc as plsc

VOCAB = 1000000
EMB = 64
HID = 256
OUT = 174
B = 4096
L = 200

NC = 2
NS = 16
NW = NC * NS
BPW = B // NW
NCH = 2
CH = L // NCH
NBUF = 4
RU = 4


def _sc_pool(x3, table):
    mesh = plsc.VectorSubcoreMesh(core_axis_name="c", subcore_axis_name="s")

    @functools.partial(
        pl.kernel,
        mesh=mesh,
        out_type=jax.ShapeDtypeStruct((B, EMB), jnp.float32),
        compiler_params=pltpu.CompilerParams(use_tc_tiling_on_sc=False),
        scratch_types=[
            pltpu.VMEM((BPW, NCH, CH), jnp.int32),
            pltpu.VMEM((NBUF, NCH, CH, EMB), jnp.float32),
            pltpu.VMEM((BPW, EMB), jnp.float32),
            [pltpu.SemaphoreType.DMA] * NBUF,
        ],
    )
    def k(x_hbm, tab_hbm, out_hbm, idx_v, rows_v, acc_v, sems):
        wid = lax.axis_index("s") * NC + lax.axis_index("c")
        pltpu.sync_copy(x_hbm.at[wid], idx_v)

        def fire(b, s):
            for j in range(NCH):
                pltpu.async_copy(
                    tab_hbm.at[idx_v.at[b, j]], rows_v.at[s, j], sems[s]
                )

        def wait(b, s):
            for j in range(NCH):
                pltpu.make_async_copy(
                    tab_hbm.at[idx_v.at[b, j]], rows_v.at[s, j], sems[s]
                ).wait()

        def reduce(b, s):
            z = jnp.zeros((16,), jnp.float32)

            def red(r4, a):
                for j in range(NCH):
                    for dr in range(RU):
                        r = r4 * RU + dr
                        a = tuple(
                            a[c] + rows_v[s, j, r, pl.ds(c * 16, 16)]
                            for c in range(4)
                        )
                return a

            accs = lax.fori_loop(0, CH // RU, red, (z, z, z, z))
            for c in range(4):
                acc_v[b, pl.ds(c * 16, 16)] = accs[c]

        for s in range(NBUF):
            fire(s, s)

        def body(g, carry):
            for s in range(NBUF):
                b = g * NBUF + s
                wait(b, s)
                bn = b + NBUF

                @pl.when(bn < BPW)
                def _():
                    fire(bn, s)

                reduce(b, s)
            return carry

        lax.fori_loop(0, BPW // NBUF, body, 0)
        pltpu.sync_copy(acc_v, out_hbm.at[pl.ds(wid * BPW, BPW)])

    return k(x3, table)


TVB = 4096
NTB = -(-VOCAB // TVB)
VPAD = NTB * TVB


def _tp_body(in_ref, o_ref):
    a = in_ref[...]
    r = lax.broadcasted_iota(jnp.int32, (EMB, EMB), 0)
    c = lax.broadcasted_iota(jnp.int32, (EMB, EMB), 1)
    eye = (r == c).astype(jnp.float32)
    at = lax.dot_general(
        a,
        eye,
        (((0,), (0,)), ((), ())),
        preferred_element_type=jnp.float32,
    )
    o_ref[...] = jnp.concatenate([at[: TVB // 2], at[TVB // 2 :]], axis=1)


def _transpose_pack(tt):
    return pl.pallas_call(
        _tp_body,
        grid=(NTB,),
        in_specs=[pl.BlockSpec((EMB, TVB), lambda i: (0, i))],
        out_specs=pl.BlockSpec((TVB // 2, 2 * EMB), lambda i: (i, 0)),
        out_shape=jax.ShapeDtypeStruct((VPAD // 2, 2 * EMB), jnp.float32),
    )(tt)


def _mlp_body(p_ref, w1_ref, b1_ref, w2_ref, b2_ref, o_ref):
    p = p_ref[...] * (1.0 / L)
    h = jnp.maximum(
        jnp.dot(p, w1_ref[...], preferred_element_type=jnp.float32) + b1_ref[...],
        0.0,
    )
    z = jnp.dot(h, w2_ref[...], preferred_element_type=jnp.float32) + b2_ref[...]
    o_ref[...] = 1.0 / (1.0 + jnp.exp(-z))


def _mlp(pooled, W1, b1, W2, b2):
    BLK = 512
    grid = (B // BLK,)
    return pl.pallas_call(
        _mlp_body,
        grid=grid,
        in_specs=[
            pl.BlockSpec((BLK, EMB), lambda i: (i, 0)),
            pl.BlockSpec((EMB, HID), lambda i: (0, 0)),
            pl.BlockSpec((1, HID), lambda i: (0, 0)),
            pl.BlockSpec((HID, OUT), lambda i: (0, 0)),
            pl.BlockSpec((1, OUT), lambda i: (0, 0)),
        ],
        out_specs=pl.BlockSpec((BLK, OUT), lambda i: (i, 0)),
        out_shape=jax.ShapeDtypeStruct((B, OUT), jnp.float32),
    )(pooled, W1, b1.reshape(1, HID), W2, b2.reshape(1, OUT))


def kernel(x, table, W1, b1, W2, b2):
    tp = _transpose_pack(table.T)
    tv = tp.reshape(VPAD, EMB)
    xi = x.astype(jnp.int32)
    r = xi & (TVB - 1)
    x2 = (xi - r + jnp.where(r < TVB // 2, 2 * r, 2 * r - TVB + 1)).reshape(
        NW, BPW, NCH, CH
    )
    pooled = _sc_pool(x2, tv)
    return _mlp(pooled, W1, b1, W2, b2)

# --- scband reference (transcript-rebuilt; emitter-appended) ---
"""Pipeline reference for scband-model-34359738368606 (READ-ONLY COPY).

The authoritative reference and input builder live on the scoring server;
editing this copy changes nothing except your own understanding.
"""

import jax, jax.numpy as jnp
import numpy as np

VOCAB = 1000000
EMB = 64
HID = 256
OUT = 174

def setup_inputs(seed: int = 0) -> dict:
    key = jax.random.key(seed)
    k1, k2, k3, k4, k5, k6 = jax.random.split(key, 6)
    x = jax.random.randint(k1, (4096, 200), 0, VOCAB, dtype=jnp.int64)
    table = jax.random.normal(k2, (VOCAB, EMB), dtype=jnp.float32) * 0.02
    table = table.at[0].set(0.0)  # padding_idx=0
    W1 = jax.random.normal(k3, (EMB, HID), dtype=jnp.float32) * (1.0 / np.sqrt(EMB))
    b1 = jax.random.normal(k4, (HID,), dtype=jnp.float32) * 0.01
    W2 = jax.random.normal(k5, (HID, OUT), dtype=jnp.float32) * (1.0 / np.sqrt(HID))
    b2 = jax.random.normal(k6, (OUT,), dtype=jnp.float32) * 0.01
    return {"x": x, "table": table, "W1": W1, "b1": b1, "W2": W2, "b2": b2}

def reference(x, table, W1, b1, W2, b2):
    emb = jnp.take(table, x, axis=0)           # [B, L, EMB] gather
    pooled = jnp.mean(emb, axis=1)              # [B, EMB]
    h = jax.nn.relu(pooled @ W1 + b1)           # [B, HID]
    out = jax.nn.sigmoid(h @ W2 + b2)           # [B, 174]
    return out

if __name__ == "__main__":
    import jax
    _d = setup_inputs()
    print(jax.jit(kernel)(*tuple(_d.values())))

</pallas_src>

<mosaic_0001>
#map = affine_map<(d0, d1) -> (0, 0, 0, 0)>
#map1 = affine_map<(d0, d1) -> (0, 0)>
module attributes {stable_mosaic.version = 14 : i64} {
  func.func @k(%arg0: i32, %arg1: i32, %arg2: memref<32x128x2x100xi32, #tpu.memory_space<hbm>>, %arg3: memref<1003520x64xf32, #tpu.memory_space<hbm>>, %arg4: memref<4096x64xf32, #tpu.memory_space<hbm>>, %arg5: memref<128x2x100xi32, #tpu.memory_space<vmem>>, %arg6: memref<4x2x100x64xf32, #tpu.memory_space<vmem>>, %arg7: memref<128x64xf32, #tpu.memory_space<vmem>>, %arg8: memref<!tpu.dma_semaphore, #tpu.memory_space<semaphore_mem>>, %arg9: memref<!tpu.dma_semaphore, #tpu.memory_space<semaphore_mem>>, %arg10: memref<!tpu.dma_semaphore, #tpu.memory_space<semaphore_mem>>, %arg11: memref<!tpu.dma_semaphore, #tpu.memory_space<semaphore_mem>>) attributes {dimension_semantics = [#tpu.dimension_semantics<core_parallel>, #tpu.dimension_semantics<subcore_parallel>], iteration_bounds = array<i64: 2, 16>, scalar_prefetch = 0 : i64, scratch_operands = 7 : i64, tpu.core_type = #tpu.core_type<sc_vector_subcore>, window_params = [{transform_indices = #map}, {transform_indices = #map1}, {transform_indices = #map1}]} {
    %mul3A = arith.constant 2 : i32
    %mul3A_0 = arith.muli %arg1, %mul3A : i32
    %add3A = arith.addi %mul3A_0, %arg0 : i32
    "tpu.region"() ({
      %run_scoped3A = tpu.sem_alloc : memref<!tpu.dma_semaphore, #tpu.memory_space<semaphore_mem>>
      %dma_start3A_119 = arith.constant 0 : i32
      %dma_start3A_120 = arith.constant 0 : i32
      %dma_start3A_121 = arith.constant 0 : i32
      %dma_start3A_122 = tpu.memref_slice %arg2[%add3A, %dma_start3A_119, %dma_start3A_120, %dma_start3A_121] : memref<32x128x2x100xi32, #tpu.memory_space<hbm>> -> memref<1x128x2x100xi32, #tpu.memory_space<hbm>>
      %dma_start3A_123 = tpu.memref_squeeze %dma_start3A_122 : memref<1x128x2x100xi32, #tpu.memory_space<hbm>> -> memref<128x2x100xi32, #tpu.memory_space<hbm>>
      %dma_start3A_124 = arith.constant 0 : i32
      %dma_start3A_125 = arith.constant 0 : i32
      %dma_start3A_126 = arith.constant 0 : i32
      %dma_start3A_127 = tpu.memref_slice %arg2[%add3A, %dma_start3A_124, %dma_start3A_125, %dma_start3A_126] : memref<32x128x2x100xi32, #tpu.memory_space<hbm>> -> memref<1x128x2x100xi32, #tpu.memory_space<hbm>>
      %dma_start3A_128 = tpu.memref_squeeze %dma_start3A_127 : memref<1x128x2x100xi32, #tpu.memory_space<hbm>> -> memref<128x2x100xi32, #tpu.memory_space<hbm>>
      tpu.enqueue_dma source(%dma_start3A_128 : memref<128x2x100xi32, #tpu.memory_space<hbm>>) target(%arg5 : memref<128x2x100xi32, #tpu.memory_space<vmem>>) target_semaphore(%run_scoped3A : memref<!tpu.dma_semaphore, #tpu.memory_space<semaphore_mem>>)
      %dma_wait3A = arith.constant 0 : i32
      %dma_wait3A_129 = arith.constant 0 : i32
      %dma_wait3A_130 = arith.constant 0 : i32
      %dma_wait3A_131 = tpu.memref_slice %arg2[%add3A, %dma_wait3A, %dma_wait3A_129, %dma_wait3A_130] : memref<32x128x2x100xi32, #tpu.memory_space<hbm>> -> memref<1x128x2x100xi32, #tpu.memory_space<hbm>>
      %dma_wait3A_132 = tpu.memref_squeeze %dma_wait3A_131 : memref<1x128x2x100xi32, #tpu.memory_space<hbm>> -> memref<128x2x100xi32, #tpu.memory_space<hbm>>
      %dma_wait3A_133 = arith.constant 0 : i32
      %dma_wait3A_134 = arith.constant 0 : i32
      %dma_wait3A_135 = arith.constant 0 : i32
      %dma_wait3A_136 = tpu.memref_slice %arg2[%add3A, %dma_wait3A_133, %dma_wait3A_134, %dma_wait3A_135] : memref<32x128x2x100xi32, #tpu.memory_space<hbm>> -> memref<1x128x2x100xi32, #tpu.memory_space<hbm>>
      %dma_wait3A_137 = tpu.memref_squeeze %dma_wait3A_136 : memref<1x128x2x100xi32, #tpu.memory_space<hbm>> -> memref<128x2x100xi32, #tpu.memory_space<hbm>>
      tpu.wait_dma2 semaphore(%run_scoped3A : memref<!tpu.dma_semaphore, #tpu.memory_space<semaphore_mem>>) src(%dma_wait3A_137 : memref<128x2x100xi32, #tpu.memory_space<hbm>>) dst(%arg5 : memref<128x2x100xi32, #tpu.memory_space<vmem>>)
      tpu.yield
    }) : () -> ()
    %dma_start3A = arith.constant 0 : i32
    %dma_start3A_1 = arith.constant 0 : i32
    %dma_start3A_2 = arith.constant 0 : i32
    %dma_start3A_3 = arith.constant 0 : i32
    %dma_start3A_4 = arith.constant 0 : i32
    %dma_start3A_5 = arith.constant 0 : i32
    %dma_start3A_6 = tpu.memref_slice %arg6[%dma_start3A_2, %dma_start3A_3, %dma_start3A_4, %dma_start3A_5] : memref<4x2x100x64xf32, #tpu.memory_space<vmem>> -> memref<1x1x100x64xf32, #tpu.memory_space<vmem>>
    %dma_start3A_7 = tpu.memref_squeeze %dma_start3A_6 : memref<1x1x100x64xf32, #tpu.memory_space<vmem>> -> memref<100x64xf32, #tpu.memory_space<vmem>>
    %dma_start3A_8 = arith.constant 0 : i32
    %dma_start3A_9 = tpu.memref_slice %arg5[%dma_start3A, %dma_start3A_1, %dma_start3A_8] : memref<128x2x100xi32, #tpu.memory_space<vmem>> -> memref<1x1x100xi32, #tpu.memory_space<vmem>>
    %dma_start3A_10 = tpu.memref_squeeze %dma_start3A_9 : memref<1x1x100xi32, #tpu.memory_space<vmem>> -> memref<100xi32, #tpu.memory_space<vmem>>
    %dma_start3A_11 = arith.constant 0 : i32
    %dma_start3A_12 = arith.constant 0 : i32
    %dma_start3A_13 = tpu.memref_slice %arg3[%dma_start3A_11, %dma_start3A_12] : memref<1003520x64xf32, #tpu.memory_space<hbm>> -> memref<1003520x64xf32, #tpu.memory_space<hbm>>
    tpu.enqueue_indirect_dma source(%dma_start3A_13 : memref<1003520x64xf32, #tpu.memory_space<hbm>>) target(%dma_start3A_7 : memref<100x64xf32, #tpu.memory_space<vmem>>) offsets(%dma_start3A_10 : memref<100xi32, #tpu.memory_space<vmem>>) semaphore(%arg8 : memref<!tpu.dma_semaphore, #tpu.memory_space<semaphore_mem>>)
    %dma_start3A_14 = arith.constant 0 : i32
    %dma_start3A_15 = arith.constant 1 : i32
    %dma_start3A_16 = arith.constant 0 : i32
    %dma_start3A_17 = arith.constant 1 : i32
    %dma_start3A_18 = arith.constant 0 : i32
    %dma_start3A_19 = arith.constant 0 : i32
    %dma_start3A_20 = tpu.memref_slice %arg6[%dma_start3A_16, %dma_start3A_17, %dma_start3A_18, %dma_start3A_19] : memref<4x2x100x64xf32, #tpu.memory_space<vmem>> -> memref<1x1x100x64xf32, #tpu.memory_space<vmem>>
    %dma_start3A_21 = tpu.memref_squeeze %dma_start3A_20 : memref<1x1x100x64xf32, #tpu.memory_space<vmem>> -> memref<100x64xf32, #tpu.memory_space<vmem>>
    %dma_start3A_22 = arith.constant 0 : i32
    %dma_start3A_23 = tpu.memref_slice %arg5[%dma_start3A_14, %dma_start3A_15, %dma_start3A_22] : memref<128x2x100xi32, #tpu.memory_space<vmem>> -> memref<1x1x100xi32, #tpu.memory_space<vmem>>
    %dma_start3A_24 = tpu.memref_squeeze %dma_start3A_23 : memref<1x1x100xi32, #tpu.memory_space<vmem>> -> memref<100xi32, #tpu.memory_space<vmem>>
    %dma_start3A_25 = arith.constant 0 : i32
    %dma_start3A_26 = arith.constant 0 : i32
    %dma_start3A_27 = tpu.memref_slice %arg3[%dma_start3A_25, %dma_start3A_26] : memref<1003520x64xf32, #tpu.memory_space<hbm>> -> memref<1003520x64xf32, #tpu.memory_space<hbm>>
    tpu.enqueue_indirect_dma source(%dma_start3A_27 : memref<1003520x64xf32, #tpu.memory_space<hbm>>) target(%dma_start3A_21 : memref<100x64xf32, #tpu.memory_space<vmem>>) offsets(%dma_start3A_24 : memref<100xi32, #tpu.memory_space<vmem>>) semaphore(%arg8 : memref<!tpu.dma_semaphore, #tpu.memory_space<semaphore_mem>>)
    %dma_start3A_28 = arith.constant 1 : i32
    %dma_start3A_29 = arith.constant 0 : i32
    %dma_start3A_30 = arith.constant 1 : i32
    %dma_start3A_31 = arith.constant 0 : i32
    %dma_start3A_32 = arith.constant 0 : i32
    %dma_start3A_33 = arith.constant 0 : i32
    %dma_start3A_34 = tpu.memref_slice %arg6[%dma_start3A_30, %dma_start3A_31, %dma_start3A_32, %dma_start3A_33] : memref<4x2x100x64xf32, #tpu.memory_space<vmem>> -> memref<1x1x100x64xf32, #tpu.memory_space<vmem>>
    %dma_start3A_35 = tpu.memref_squeeze %dma_start3A_34 : memref<1x1x100x64xf32, #tpu.memory_space<vmem>> -> memref<100x64xf32, #tpu.memory_space<vmem>>
    %dma_start3A_36 = arith.constant 0 : i32
    %dma_start3A_37 = tpu.memref_slice %arg5[%dma_start3A_28, %dma_start3A_29, %dma_start3A_36] : memref<128x2x100xi32, #tpu.memory_space<vmem>> -> memref<1x1x100xi32, #tpu.memory_space<vmem>>
    %dma_start3A_38 = tpu.memref_squeeze %dma_start3A_37 : memref<1x1x100xi32, #tpu.memory_space<vmem>> -> memref<100xi32, #tpu.memory_space<vmem>>
    %dma_start3A_39 = arith.constant 0 : i32
    %dma_start3A_40 = arith.constant 0 : i32
    %dma_start3A_41 = tpu.memref_slice %arg3[%dma_start3A_39, %dma_start3A_40] : memref<1003520x64xf32, #tpu.memory_space<hbm>> -> memref<1003520x64xf32, #tpu.memory_space<hbm>>
    tpu.enqueue_indirect_dma source(%dma_start3A_41 : memref<1003520x64xf32, #tpu.memory_space<hbm>>) target(%dma_start3A_35 : memref<100x64xf32, #tpu.memory_space<vmem>>) offsets(%dma_start3A_38 : memref<100xi32, #tpu.memory_space<vmem>>) semaphore(%arg9 : memref<!tpu.dma_semaphore, #tpu.memory_space<semaphore_mem>>)
    %dma_start3A_42 = arith.constant 1 : i32
    %dma_start3A_43 = arith.constant 1 : i32
    %dma_start3A_44 = arith.constant 1 : i32
    %dma_start3A_45 = arith.constant 1 : i32
    %dma_start3A_46 = arith.constant 0 : i32
    %dma_start3A_47 = arith.constant 0 : i32
    %dma_start3A_48 = tpu.memref_slice %arg6[%dma_start3A_44, %dma_start3A_45, %dma_start3A_46, %dma_start3A_47] : memref<4x2x100x64xf32, #tpu.memory_space<vmem>> -> memref<1x1x100x64xf32, #tpu.memory_space<vmem>>
    %dma_start3A_49 = tpu.memref_squeeze %dma_start3A_48 : memref<1x1x100x64xf32, #tpu.memory_space<vmem>> -> memref<100x64xf32, #tpu.memory_space<vmem>>
    %dma_start3A_50 = arith.constant 0 : i32
    %dma_start3A_51 = tpu.memref_slice %arg5[%dma_start3A_42, %dma_start3A_43, %dma_start3A_50] : memref<128x2x100xi32, #tpu.memory_space<vmem>> -> memref<1x1x100xi32, #tpu.memory_space<vmem>>
    %dma_start3A_52 = tpu.memref_squeeze %dma_start3A_51 : memref<1x1x100xi32, #tpu.memory_space<vmem>> -> memref<100xi32, #tpu.memory_space<vmem>>
    %dma_start3A_53 = arith.constant 0 : i32
    %dma_start3A_54 = arith.constant 0 : i32
    %dma_start3A_55 = tpu.memref_slice %arg3[%dma_start3A_53, %dma_start3A_54] : memref<1003520x64xf32, #tpu.memory_space<hbm>> -> memref<1003520x64xf32, #tpu.memory_space<hbm>>
    tpu.enqueue_indirect_dma source(%dma_start3A_55 : memref<1003520x64xf32, #tpu.memory_space<hbm>>) target(%dma_start3A_49 : memref<100x64xf32, #tpu.memory_space<vmem>>) offsets(%dma_start3A_52 : memref<100xi32, #tpu.memory_space<vmem>>) semaphore(%arg9 : memref<!tpu.dma_semaphore, #tpu.memory_space<semaphore_mem>>)
    %dma_start3A_56 = arith.constant 2 : i32
    %dma_start3A_57 = arith.constant 0 : i32
    %dma_start3A_58 = arith.constant 2 : i32
    %dma_start3A_59 = arith.constant 0 : i32
    %dma_start3A_60 = arith.constant 0 : i32
    %dma_start3A_61 = arith.constant 0 : i32
    %dma_start3A_62 = tpu.memref_slice %arg6[%dma_start3A_58, %dma_start3A_59, %dma_start3A_60, %dma_start3A_61] : memref<4x2x100x64xf32, #tpu.memory_space<vmem>> -> memref<1x1x100x64xf32, #tpu.memory_space<vmem>>
    %dma_start3A_63 = tpu.memref_squeeze %dma_start3A_62 : memref<1x1x100x64xf32, #tpu.memory_space<vmem>> -> memref<100x64xf32, #tpu.memory_space<vmem>>
    %dma_start3A_64 = arith.constant 0 : i32
    %dma_start3A_65 = tpu.memref_slice %arg5[%dma_start3A_56, %dma_start3A_57, %dma_start3A_64] : memref<128x2x100xi32, #tpu.memory_space<vmem>> -> memref<1x1x100xi32, #tpu.memory_space<vmem>>
    %dma_start3A_66 = tpu.memref_squeeze %dma_start3A_65 : memref<1x1x100xi32, #tpu.memory_space<vmem>> -> memref<100xi32, #tpu.memory_space<vmem>>
    %dma_start3A_67 = arith.constant 0 : i32
    %dma_start3A_68 = arith.constant 0 : i32
    %dma_start3A_69 = tpu.memref_slice %arg3[%dma_start3A_67, %dma_start3A_68] : memref<1003520x64xf32, #tpu.memory_space<hbm>> -> memref<1003520x64xf32, #tpu.memory_space<hbm>>
    tpu.enqueue_indirect_dma source(%dma_start3A_69 : memref<1003520x64xf32, #tpu.memory_space<hbm>>) target(%dma_start3A_63 : memref<100x64xf32, #tpu.memory_space<vmem>>) offsets(%dma_start3A_66 : memref<100xi32, #tpu.memory_space<vmem>>) semaphore(%arg10 : memref<!tpu.dma_semaphore, #tpu.memory_space<semaphore_mem>>)
    %dma_start3A_70 = arith.constant 2 : i32
    %dma_start3A_71 = arith.constant 1 : i32
    %dma_start3A_72 = arith.constant 2 : i32
    %dma_start3A_73 = arith.constant 1 : i32
    %dma_start3A_74 = arith.constant 0 : i32
    %dma_start3A_75 = arith.constant 0 : i32
    %dma_start3A_76 = tpu.memref_slice %arg6[%dma_start3A_72, %dma_start3A_73, %dma_start3A_74, %dma_start3A_75] : memref<4x2x100x64xf32, #tpu.memory_space<vmem>> -> memref<1x1x100x64xf32, #tpu.memory_space<vmem>>
    %dma_start3A_77 = tpu.memref_squeeze %dma_start3A_76 : memref<1x1x100x64xf32, #tpu.memory_space<vmem>> -> memref<100x64xf32, #tpu.memory_space<vmem>>
    %dma_start3A_78 = arith.constant 0 : i32
    %dma_start3A_79 = tpu.memref_slice %arg5[%dma_start3A_70, %dma_start3A_71, %dma_start3A_78] : memref<128x2x100xi32, #tpu.memory_space<vmem>> -> memref<1x1x100xi32, #tpu.memory_space<vmem>>
    %dma_start3A_80 = tpu.memref_squeeze %dma_start3A_79 : memref<1x1x100xi32, #tpu.memory_space<vmem>> -> memref<100xi32, #tpu.memory_space<vmem>>
    %dma_start3A_81 = arith.constant 0 : i32
    %dma_start3A_82 = arith.constant 0 : i32
    %dma_start3A_83 = tpu.memref_slice %arg3[%dma_start3A_81, %dma_start3A_82] : memref<1003520x64xf32, #tpu.memory_space<hbm>> -> memref<1003520x64xf32, #tpu.memory_space<hbm>>
    tpu.enqueue_indirect_dma source(%dma_start3A_83 : memref<1003520x64xf32, #tpu.memory_space<hbm>>) target(%dma_start3A_77 : memref<100x64xf32, #tpu.memory_space<vmem>>) offsets(%dma_start3A_80 : memref<100xi32, #tpu.memory_space<vmem>>) semaphore(%arg10 : memref<!tpu.dma_semaphore, #tpu.memory_space<semaphore_mem>>)
    %dma_start3A_84 = arith.constant 3 : i32
    %dma_start3A_85 = arith.constant 0 : i32
    %dma_start3A_86 = arith.constant 3 : i32
    %dma_start3A_87 = arith.constant 0 : i32
    %dma_start3A_88 = arith.constant 0 : i32
    %dma_start3A_89 = arith.constant 0 : i32
    %dma_start3A_90 = tpu.memref_slice %arg6[%dma_start3A_86, %dma_start3A_87, %dma_start3A_88, %dma_start3A_89] : memref<4x2x100x64xf32, #tpu.memory_space<vmem>> -> memref<1x1x100x64xf32, #tpu.memory_space<vmem>>
    %dma_start3A_91 = tpu.memref_squeeze %dma_start3A_90 : memref<1x1x100x64xf32, #tpu.memory_space<vmem>> -> memref<100x64xf32, #tpu.memory_space<vmem>>
    %dma_start3A_92 = arith.constant 0 : i32
    %dma_start3A_93 = tpu.memref_slice %arg5[%dma_start3A_84, %dma_start3A_85, %dma_start3A_92] : memref<128x2x100xi32, #tpu.memory_space<vmem>> -> memref<1x1x100xi32, #tpu.memory_space<vmem>>
    %dma_start3A_94 = tpu.memref_squeeze %dma_start3A_93 : memref<1x1x100xi32, #tpu.memory_space<vmem>> -> memref<100xi32, #tpu.memory_space<vmem>>
    %dma_start3A_95 = arith.constant 0 : i32
    %dma_start3A_96 = arith.constant 0 : i32
    %dma_start3A_97 = tpu.memref_slice %arg3[%dma_start3A_95, %dma_start3A_96] : memref<1003520x64xf32, #tpu.memory_space<hbm>> -> memref<1003520x64xf32, #tpu.memory_space<hbm>>
    tpu.enqueue_indirect_dma source(%dma_start3A_97 : memref<1003520x64xf32, #tpu.memory_space<hbm>>) target(%dma_start3A_91 : memref<100x64xf32, #tpu.memory_space<vmem>>) offsets(%dma_start3A_94 : memref<100xi32, #tpu.memory_space<vmem>>) semaphore(%arg11 : memref<!tpu.dma_semaphore, #tpu.memory_space<semaphore_mem>>)
    %dma_start3A_98 = arith.constant 3 : i32
    %dma_start3A_99 = arith.constant 1 : i32
    %dma_start3A_100 = arith.constant 3 : i32
    %dma_start3A_101 = arith.constant 1 : i32
    %dma_start3A_102 = arith.constant 0 : i32
    %dma_start3A_103 = arith.constant 0 : i32
    %dma_start3A_104 = tpu.memref_slice %arg6[%dma_start3A_100, %dma_start3A_101, %dma_start3A_102, %dma_start3A_103] : memref<4x2x100x64xf32, #tpu.memory_space<vmem>> -> memref<1x1x100x64xf32, #tpu.memory_space<vmem>>
    %dma_start3A_105 = tpu.memref_squeeze %dma_start3A_104 : memref<1x1x100x64xf32, #tpu.memory_space<vmem>> -> memref<100x64xf32, #tpu.memory_space<vmem>>
    %dma_start3A_106 = arith.constant 0 : i32
    %dma_start3A_107 = tpu.memref_slice %arg5[%dma_start3A_98, %dma_start3A_99, %dma_start3A_106] : memref<128x2x100xi32, #tpu.memory_space<vmem>> -> memref<1x1x100xi32, #tpu.memory_space<vmem>>
    %dma_start3A_108 = tpu.memref_squeeze %dma_start3A_107 : memref<1x1x100xi32, #tpu.memory_space<vmem>> -> memref<100xi32, #tpu.memory_space<vmem>>
    %dma_start3A_109 = arith.constant 0 : i32
    %dma_start3A_110 = arith.constant 0 : i32
    %dma_start3A_111 = tpu.memref_slice %arg3[%dma_start3A_109, %dma_start3A_110] : memref<1003520x64xf32, #tpu.memory_space<hbm>> -> memref<1003520x64xf32, #tpu.memory_space<hbm>>
    tpu.enqueue_indirect_dma source(%dma_start3A_111 : memref<1003520x64xf32, #tpu.memory_space<hbm>>) target(%dma_start3A_105 : memref<100x64xf32, #tpu.memory_space<vmem>>) offsets(%dma_start3A_108 : memref<100xi32, #tpu.memory_space<vmem>>) semaphore(%arg11 : memref<!tpu.dma_semaphore, #tpu.memory_space<semaphore_mem>>)
    %scan3A = arith.constant 0 : i32
    %scan3A_112 = arith.constant 0 : i32
    %scan3A_113 = arith.constant 32 : i32
    %scan3A_114 = arith.addi %scan3A_112, %scan3A_113 : i32
    %scan3A_115 = arith.constant 1 : i32
    scf.for %scan3A_119 = %scan3A_112 to %scan3A_114 step %scan3A_115  : i32 {
      %mul3A_120 = arith.constant 4 : i32
      %mul3A_121 = arith.muli %scan3A_119, %mul3A_120 : i32
      %add3A_122 = arith.constant 0 : i32
      %add3A_123 = arith.addi %mul3A_121, %add3A_122 : i32
      %dma_wait3A = arith.constant 0 : i32
      %dma_wait3A_124 = arith.constant 0 : i32
      %dma_wait3A_125 = arith.constant 0 : i32
      %dma_wait3A_126 = arith.constant 0 : i32
      %dma_wait3A_127 = arith.constant 0 : i32
      %dma_wait3A_128 = tpu.memref_slice %arg6[%dma_wait3A_124, %dma_wait3A_125, %dma_wait3A_126, %dma_wait3A_127] : memref<4x2x100x64xf32, #tpu.memory_space<vmem>> -> memref<1x1x100x64xf32, #tpu.memory_space<vmem>>
      %dma_wait3A_129 = tpu.memref_squeeze %dma_wait3A_128 : memref<1x1x100x64xf32, #tpu.memory_space<vmem>> -> memref<100x64xf32, #tpu.memory_space<vmem>>
      %dma_wait3A_130 = arith.constant 0 : i32
      %dma_wait3A_131 = tpu.memref_slice %arg5[%add3A_123, %dma_wait3A, %dma_wait3A_130] : memref<128x2x100xi32, #tpu.memory_space<vmem>> -> memref<1x1x100xi32, #tpu.memory_space<vmem>>
      %dma_wait3A_132 = tpu.memref_squeeze %dma_wait3A_131 : memref<1x1x100xi32, #tpu.memory_space<vmem>> -> memref<100xi32, #tpu.memory_space<vmem>>
      %dma_wait3A_133 = arith.constant 0 : i32
      %dma_wait3A_134 = arith.constant 0 : i32
      %dma_wait3A_135 = tpu.memref_slice %arg3[%dma_wait3A_133, %dma_wait3A_134] : memref<1003520x64xf32, #tpu.memory_space<hbm>> -> memref<1003520x64xf32, #tpu.memory_space<hbm>>
      tpu.wait_indirect_dma semaphore(%arg8 : memref<!tpu.dma_semaphore, #tpu.memory_space<semaphore_mem>>) src(%dma_wait3A_135 : memref<1003520x64xf32, #tpu.memory_space<hbm>>) dst(%dma_wait3A_129 : memref<100x64xf32, #tpu.memory_space<vmem>>)
      %dma_wait3A_136 = arith.constant 1 : i32
      %dma_wait3A_137 = arith.constant 0 : i32
      %dma_wait3A_138 = arith.constant 1 : i32
      %dma_wait3A_139 = arith.constant 0 : i32
      %dma_wait3A_140 = arith.constant 0 : i32
      %dma_wait3A_141 = tpu.memref_slice %arg6[%dma_wait3A_137, %dma_wait3A_138, %dma_wait3A_139, %dma_wait3A_140] : memref<4x2x100x64xf32, #tpu.memory_space<vmem>> -> memref<1x1x100x64xf32, #tpu.memory_space<vmem>>
      %dma_wait3A_142 = tpu.memref_squeeze %dma_wait3A_141 : memref<1x1x100x64xf32, #tpu.memory_space<vmem>> -> memref<100x64xf32, #tpu.memory_space<vmem>>
      %dma_wait3A_143 = arith.constant 0 : i32
      %dma_wait3A_144 = tpu.memref_slice %arg5[%add3A_123, %dma_wait3A_136, %dma_wait3A_143] : memref<128x2x100xi32, #tpu.memory_space<vmem>> -> memref<1x1x100xi32, #tpu.memory_space<vmem>>
      %dma_wait3A_145 = tpu.memref_squeeze %dma_wait3A_144 : memref<1x1x100xi32, #tpu.memory_space<vmem>> -> memref<100xi32, #tpu.memory_space<vmem>>
      %dma_wait3A_146 = arith.constant 0 : i32
      %dma_wait3A_147 = arith.constant 0 : i32
      %dma_wait3A_148 = tpu.memref_slice %arg3[%dma_wait3A_146, %dma_wait3A_147] : memref<1003520x64xf32, #tpu.memory_space<hbm>> -> memref<1003520x64xf32, #tpu.memory_space<hbm>>
      tpu.wait_indirect_dma semaphore(%arg8 : memref<!tpu.dma_semaphore, #tpu.memory_space<semaphore_mem>>) src(%dma_wait3A_148 : memref<1003520x64xf32, #tpu.memory_space<hbm>>) dst(%dma_wait3A_142 : memref<100x64xf32, #tpu.memory_space<vmem>>)
      %add3A_149 = arith.constant 4 : i32
      %add3A_150 = arith.addi %add3A_123, %add3A_149 : i32
      %lt3A = arith.constant 128 : i32
      %lt3A_151 = arith.cmpi slt, %add3A_150, %lt3A : i32
      %convert_element_type3A = arith.extui %lt3A_151 : i1 to i32
      %cond3A = arith.constant 0 : i32
      %cond3A_152 = arith.cmpi ne, %convert_element_type3A, %cond3A : i32
      scf.if %cond3A_152 {
        %dma_start3A_374 = arith.constant 0 : i32
        %dma_start3A_375 = arith.constant 0 : i32
        %dma_start3A_376 = arith.constant 0 : i32
        %dma_start3A_377 = arith.constant 0 : i32
        %dma_start3A_378 = arith.constant 0 : i32
        %dma_start3A_379 = tpu.memref_slice %arg6[%dma_start3A_375, %dma_start3A_376, %dma_start3A_377, %dma_start3A_378] : memref<4x2x100x64xf32, #tpu.memory_space<vmem>> -> memref<1x1x100x64xf32, #tpu.memory_space<vmem>>
        %dma_start3A_380 = tpu.memref_squeeze %dma_start3A_379 : memref<1x1x100x64xf32, #tpu.memory_space<vmem>> -> memref<100x64xf32, #tpu.memory_space<vmem>>
        %dma_start3A_381 = arith.constant 0 : i32
        %dma_start3A_382 = tpu.memref_slice %arg5[%add3A_150, %dma_start3A_374, %dma_start3A_381] : memref<128x2x100xi32, #tpu.memory_space<vmem>> -> memref<1x1x100xi32, #tpu.memory_space<vmem>>
        %dma_start3A_383 = tpu.memref_squeeze %dma_start3A_382 : memref<1x1x100xi32, #tpu.memory_space<vmem>> -> memref<100xi32, #tpu.memory_space<vmem>>
        %dma_start3A_384 = arith.constant 0 : i32
        %dma_start3A_385 = arith.constant 0 : i32
        %dma_start3A_386 = tpu.memref_slice %arg3[%dma_start3A_384, %dma_start3A_385] : memref<1003520x64xf32, #tpu.memory_space<hbm>> -> memref<1003520x64xf32, #tpu.memory_space<hbm>>
        tpu.enqueue_indirect_dma source(%dma_start3A_386 : memref<1003520x64xf32, #tpu.memory_space<hbm>>) target(%dma_start3A_380 : memref<100x64xf32, #tpu.memory_space<vmem>>) offsets(%dma_start3A_383 : memref<100xi32, #tpu.memory_space<vmem>>) semaphore(%arg8 : memref<!tpu.dma_semaphore, #tpu.memory_space<semaphore_mem>>)
        %dma_start3A_387 = arith.constant 1 : i32
        %dma_start3A_388 = arith.constant 0 : i32
        %dma_start3A_389 = arith.constant 1 : i32
        %dma_start3A_390 = arith.constant 0 : i32
        %dma_start3A_391 = arith.constant 0 : i32
        %dma_start3A_392 = tpu.memref_slice %arg6[%dma_start3A_388, %dma_start3A_389, %dma_start3A_390, %dma_start3A_391] : memref<4x2x100x64xf32, #tpu.memory_space<vmem>> -> memref<1x1x100x64xf32, #tpu.memory_space<vmem>>
        %dma_start3A_393 = tpu.memref_squeeze %dma_start3A_392 : memref<1x1x100x64xf32, #tpu.memory_space<vmem>> -> memref<100x64xf32, #tpu.memory_space<vmem>>
        %dma_start3A_394 = arith.constant 0 : i32
        %dma_start3A_395 = tpu.memref_slice %arg5[%add3A_150, %dma_start3A_387, %dma_start3A_394] : memref<128x2x100xi32, #tpu.memory_space<vmem>> -> memref<1x1x100xi32, #tpu.memory_space<vmem>>
        %dma_start3A_396 = tpu.memref_squeeze %dma_start3A_395 : memref<1x1x100xi32, #tpu.memory_space<vmem>> -> memref<100xi32, #tpu.memory_space<vmem>>
        %dma_start3A_397 = arith.constant 0 : i32
        %dma_start3A_398 = arith.constant 0 : i32
        %dma_start3A_399 = tpu.memref_slice %arg3[%dma_start3A_397, %dma_start3A_398] : memref<1003520x64xf32, #tpu.memory_space<hbm>> -> memref<1003520x64xf32, #tpu.memory_space<hbm>>
        tpu.enqueue_indirect_dma source(%dma_start3A_399 : memref<1003520x64xf32, #tpu.memory_space<hbm>>) target(%dma_start3A_393 : memref<100x64xf32, #tpu.memory_space<vmem>>) offsets(%dma_start3A_396 : memref<100xi32, #tpu.memory_space<vmem>>) semaphore(%arg8 : memref<!tpu.dma_semaphore, #tpu.memory_space<semaphore_mem>>)
      } else {
      }
      %broadcast_in_dim3A = arith.constant 0.000000e+00 : f32
      %broadcast_in_dim3A_153 = vector.broadcast %broadcast_in_dim3A : f32 to vector<16xf32>
      %scan3A_154 = arith.constant 0 : i32
      %scan3A_155 = arith.constant 25 : i32
      %scan3A_156 = arith.addi %scan3A_154, %scan3A_155 : i32
      %scan3A_157 = arith.constant 1 : i32
      %scan3A_158:4 = scf.for %scan3A_374 = %scan3A_154 to %scan3A_156 step %scan3A_157 iter_args(%scan3A_375 = %broadcast_in_dim3A_153, %scan3A_376 = %broadcast_in_dim3A_153, %scan3A_377 = %broadcast_in_dim3A_153, %scan3A_378 = %broadcast_in_dim3A_153) -> (vector<16xf32>, vector<16xf32>, vector<16xf32>, vector<16xf32>)  : i32 {
        %mul3A_379 = arith.constant 4 : i32
        %mul3A_380 = arith.muli %scan3A_374, %mul3A_379 : i32
        %add3A_381 = arith.constant 0 : i32
        %add3A_382 = arith.addi %mul3A_380, %add3A_381 : i32
        %get3A = arith.constant 0 : i32
        %get3A_383 = arith.constant 0 : i32
        %get3A_384 = arith.index_cast %get3A : i32 to index
        %get3A_385 = arith.index_cast %get3A_383 : i32 to index
        %get3A_386 = arith.index_cast %add3A_382 : i32 to index
        %get3A_387 = arith.constant 0 : index
        %get3A_388 = tpu.vector_load %arg6[%get3A_384, %get3A_385, %get3A_386, %get3A_387] {strides = array<i32>} : memref<4x2x100x64xf32, #tpu.memory_space<vmem>>, vector<1x1x1x16xf32>,
        %get3A_389 = vector.shape_cast %get3A_388 : vector<1x1x1x16xf32> to vector<16xf32>
        %add3A_390 = arith.addf %scan3A_375, %get3A_389 : vector<16xf32>
        %get3A_391 = arith.constant 0 : i32
        %get3A_392 = arith.constant 0 : i32
        %get3A_393 = arith.index_cast %get3A_391 : i32 to index
        %get3A_394 = arith.index_cast %get3A_392 : i32 to index
        %get3A_395 = arith.index_cast %add3A_382 : i32 to index
        %get3A_396 = arith.constant 16 : index
        %get3A_397 = tpu.vector_load %arg6[%get3A_393, %get3A_394, %get3A_395, %get3A_396] {strides = array<i32>} : memref<4x2x100x64xf32, #tpu.memory_space<vmem>>, vector<1x1x1x16xf32>,
        %get3A_398 = vector.shape_cast %get3A_397 : vector<1x1x1x16xf32> to vector<16xf32>
        %add3A_399 = arith.addf %scan3A_376, %get3A_398 : vector<16xf32>
        %get3A_400 = arith.constant 0 : i32
        %get3A_401 = arith.constant 0 : i32
        %get3A_402 = arith.index_cast %get3A_400 : i32 to index
        %get3A_403 = arith.index_cast %get3A_401 : i32 to index
        %get3A_404 = arith.index_cast %add3A_382 : i32 to index
        %get3A_405 = arith.constant 32 : index
        %get3A_406 = tpu.vector_load %arg6[%get3A_402, %get3A_403, %get3A_404, %get3A_405] {strides = array<i32>} : memref<4x2x100x64xf32, #tpu.memory_space<vmem>>, vector<1x1x1x16xf32>,
        %get3A_407 = vector.shape_cast %get3A_406 : vector<1x1x1x16xf32> to vector<16xf32>
        %add3A_408 = arith.addf %scan3A_377, %get3A_407 : vector<16xf32>
        %get3A_409 = arith.constant 0 : i32
        %get3A_410 = arith.constant 0 : i32
        %get3A_411 = arith.index_cast %get3A_409 : i32 to index
        %get3A_412 = arith.index_cast %get3A_410 : i32 to index
        %get3A_413 = arith.index_cast %add3A_382 : i32 to index
        %get3A_414 = arith.constant 48 : index
        %get3A_415 = tpu.vector_load %arg6[%get3A_411, %get3A_412, %get3A_413, %get3A_414] {strides = array<i32>} : memref<4x2x100x64xf32, #tpu.memory_space<vmem>>, vector<1x1x1x16xf32>,
        %get3A_416 = vector.shape_cast %get3A_415 : vector<1x1x1x16xf32> to vector<16xf32>
        %add3A_417 = arith.addf %scan3A_378, %get3A_416 : vector<16xf32>
        %mul3A_418 = arith.constant 4 : i32
        %mul3A_419 = arith.muli %scan3A_374, %mul3A_418 : i32
        %add3A_420 = arith.constant 1 : i32
        %add3A_421 = arith.addi %mul3A_419, %add3A_420 : i32
        %get3A_422 = arith.constant 0 : i32
        %get3A_423 = arith.constant 0 : i32
        %get3A_424 = arith.index_cast %get3A_422 : i32 to index
        %get3A_425 = arith.index_cast %get3A_423 : i32 to index
        %get3A_426 = arith.index_cast %add3A_421 : i32 to index
        %get3A_427 = arith.constant 0 : index
        %get3A_428 = tpu.vector_load %arg6[%get3A_424, %get3A_425, %get3A_426, %get3A_427] {strides = array<i32>} : memref<4x2x100x64xf32, #tpu.memory_space<vmem>>, vector<1x1x1x16xf32>,
        %get3A_429 = vector.shape_cast %get3A_428 : vector<1x1x1x16xf32> to vector<16xf32>
        %add3A_430 = arith.addf %add3A_390, %get3A_429 : vector<16xf32>
        %get3A_431 = arith.constant 0 : i32
        %get3A_432 = arith.constant 0 : i32
        %get3A_433 = arith.index_cast %get3A_431 : i32 to index
        %get3A_434 = arith.index_cast %get3A_432 : i32 to index
        %get3A_435 = arith.index_cast %add3A_421 : i32 to index
        %get3A_436 = arith.constant 16 : index
        %get3A_437 = tpu.vector_load %arg6[%get3A_433, %get3A_434, %get3A_435, %get3A_436] {strides = array<i32>} : memref<4x2x100x64xf32, #tpu.memory_space<vmem>>, vector<1x1x1x16xf32>,
        %get3A_438 = vector.shape_cast %get3A_437 : vector<1x1x1x16xf32> to vector<16xf32>
        %add3A_439 = arith.addf %add3A_399, %get3A_438 : vector<16xf32>
        %get3A_440 = arith.constant 0 : i32
        %get3A_441 = arith.constant 0 : i32
        %get3A_442 = arith.index_cast %get3A_440 : i32 to index
        %get3A_443 = arith.index_cast %get3A_441 : i32 to index
        %get3A_444 = arith.index_cast %add3A_421 : i32 to index
        %get3A_445 = arith.constant 32 : index
        %get3A_446 = tpu.vector_load %arg6[%get3A_442, %get3A_443, %get3A_444, %get3A_445] {strides = array<i32>} : memref<4x2x100x64xf32, #tpu.memory_space<vmem>>, vector<1x1x1x16xf32>,
        %get3A_447 = vector.shape_cast %get3A_446 : vector<1x1x1x16xf32> to vector<16xf32>
        %add3A_448 = arith.addf %add3A_408, %get3A_447 : vector<16xf32>
        %get3A_449 = arith.constant 0 : i32
        %get3A_450 = arith.constant 0 : i32
        %get3A_451 = arith.index_cast %get3A_449 : i32 to index
        %get3A_452 = arith.index_cast %get3A_450 : i32 to index
        %get3A_453 = arith.index_cast %add3A_421 : i32 to index
        %get3A_454 = arith.constant 48 : index
        %get3A_455 = tpu.vector_load %arg6[%get3A_451, %get3A_452, %get3A_453, %get3A_454] {strides = array<i32>} : memref<4x2x100x64xf32, #tpu.memory_space<vmem>>, vector<1x1x1x16xf32>,
        %get3A_456 = vector.shape_cast %get3A_455 : vector<1x1x1x16xf32> to vector<16xf32>
        %add3A_457 = arith.addf %add3A_417, %get3A_456 : vector<16xf32>
        %mul3A_458 = arith.constant 4 : i32
        %mul3A_459 = arith.muli %scan3A_374, %mul3A_458 : i32
        %add3A_460 = arith.constant 2 : i32
        %add3A_461 = arith.addi %mul3A_459, %add3A_460 : i32
        %get3A_462 = arith.constant 0 : i32
        %get3A_463 = arith.constant 0 : i32
        %get3A_464 = arith.index_cast %get3A_462 : i32 to index
        %get3A_465 = arith.index_cast %get3A_463 : i32 to index
        %get3A_466 = arith.index_cast %add3A_461 : i32 to index
        %get3A_467 = arith.constant 0 : index
        %get3A_468 = tpu.vector_load %arg6[%get3A_464, %get3A_465, %get3A_466, %get3A_467] {strides = array<i32>} : memref<4x2x100x64xf32, #tpu.memory_space<vmem>>, vector<1x1x1x16xf32>,
        %get3A_469 = vector.shape_cast %get3A_468 : vector<1x1x1x16xf32> to vector<16xf32>
        %add3A_470 = arith.addf %add3A_430, %get3A_469 : vector<16xf32>
        %get3A_471 = arith.constant 0 : i32
        %get3A_472 = arith.constant 0 : i32
        %get3A_473 = arith.index_cast %get3A_471 : i32 to index
        %get3A_474 = arith.index_cast %get3A_472 : i32 to index
        %get3A_475 = arith.index_cast %add3A_461 : i32 to index
        %get3A_476 = arith.constant 16 : index
        %get3A_477 = tpu.vector_load %arg6[%get3A_473, %get3A_474, %get3A_475, %get3A_476] {strides = array<i32>} : memref<4x2x100x64xf32, #tpu.memory_space<vmem>>, vector<1x1x1x16xf32>,
        %get3A_478 = vector.shape_cast %get3A_477 : vector<1x1x1x16xf32> to vector<16xf32>
        %add3A_479 = arith.addf %add3A_439, %get3A_478 : vector<16xf32>
        %get3A_480 = arith.constant 0 : i32
        %get3A_481 = arith.constant 0 : i32
        %get3A_482 = arith.index_cast %get3A_480 : i32 to index
        %get3A_483 = arith.index_cast %get3A_481 : i32 to index
        %get3A_484 = arith.index_cast %add3A_461 : i32 to index
        %get3A_485 = arith.constant 32 : index
        %get3A_486 = tpu.vector_load %arg6[%get3A_482, %get3A_483, %get3A_484, %get3A_485] {strides = array<i32>} : memref<4x2x100x64xf32, #tpu.memory_space<vmem>>, vector<1x1x1x16xf32>,
        %get3A_487 = vector.shape_cast %get3A_486 : vector<1x1x1x16xf32> to vector<16xf32>
        %add3A_488 = arith.addf %add3A_448, %get3A_487 : vector<16xf32>
        %get3A_489 = arith.constant 0 : i32
        %get3A_490 = arith.constant 0 : i32
        %get3A_491 = arith.index_cast %get3A_489 : i32 to index
        %get3A_492 = arith.index_cast %get3A_490 : i32 to index
        %get3A_493 = arith.index_cast %add3A_461 : i32 to index
        %get3A_494 = arith.constant 48 : index
        %get3A_495 = tpu.vector_load %arg6[%get3A_491, %get3A_492, %get3A_493, %get3A_494] {strides = array<i32>} : memref<4x2x100x64xf32, #tpu.memory_space<vmem>>, vector<1x1x1x16xf32>,
        %get3A_496 = vector.shape_cast %get3A_495 : vector<1x1x1x16xf32> to vector<16xf32>
        %add3A_497 = arith.addf %add3A_457, %get3A_496 : vector<16xf32>
        %mul3A_498 = arith.constant 4 : i32
        %mul3A_499 = arith.muli %scan3A_374, %mul3A_498 : i32
        %add3A_500 = arith.constant 3 : i32
        %add3A_501 = arith.addi %mul3A_499, %add3A_500 : i32
        %get3A_502 = arith.constant 0 : i32
        %get3A_503 = arith.constant 0 : i32
        %get3A_504 = arith.index_cast %get3A_502 : i32 to index
        %get3A_505 = arith.index_cast %get3A_503 : i32 to index
        %get3A_506 = arith.index_cast %add3A_501 : i32 to index
        %get3A_507 = arith.constant 0 : index
        %get3A_508 = tpu.vector_load %arg6[%get3A_504, %get3A_505, %get3A_506, %get3A_507] {strides = array<i32>} : memref<4x2x100x64xf32, #tpu.memory_space<vmem>>, vector<1x1x1x16xf32>,
        %get3A_509 = vector.shape_cast %get3A_508 : vector<1x1x1x16xf32> to vector<16xf32>
        %add3A_510 = arith.addf %add3A_470, %get3A_509 : vector<16xf32>
        %get3A_511 = arith.constant 0 : i32
        %get3A_512 = arith.constant 0 : i32
        %get3A_513 = arith.index_cast %get3A_511 : i32 to index
        %get3A_514 = arith.index_cast %get3A_512 : i32 to index
        %get3A_515 = arith.index_cast %add3A_501 : i32 to index
        %get3A_516 = arith.constant 16 : index
        %get3A_517 = tpu.vector_load %arg6[%get3A_513, %get3A_514, %get3A_515, %get3A_516] {strides = array<i32>} : memref<4x2x100x64xf32, #tpu.memory_space<vmem>>, vector<1x1x1x16xf32>,
        %get3A_518 = vector.shape_cast %get3A_517 : vector<1x1x1x16xf32> to vector<16xf32>
        %add3A_519 = arith.addf %add3A_479, %get3A_518 : vector<16xf32>
        %get3A_520 = arith.constant 0 : i32
        %get3A_521 = arith.constant 0 : i32
        %get3A_522 = arith.index_cast %get3A_520 : i32 to index
        %get3A_523 = arith.index_cast %get3A_521 : i32 to index
        %get3A_524 = arith.index_cast %add3A_501 : i32 to index
        %get3A_525 = arith.constant 32 : index
        %get3A_526 = tpu.vector_load %arg6[%get3A_522, %get3A_523, %get3A_524, %get3A_525] {strides = array<i32>} : memref<4x2x100x64xf32, #tpu.memory_space<vmem>>, vector<1x1x1x16xf32>,
        %get3A_527 = vector.shape_cast %get3A_526 : vector<1x1x1x16xf32> to vector<16xf32>
        %add3A_528 = arith.addf %add3A_488, %get3A_527 : vector<16xf32>
        %get3A_529 = arith.constant 0 : i32
        %get3A_530 = arith.constant 0 : i32
        %get3A_531 = arith.index_cast %get3A_529 : i32 to index
        %get3A_532 = arith.index_cast %get3A_530 : i32 to index
        %get3A_533 = arith.index_cast %add3A_501 : i32 to index
        %get3A_534 = arith.constant 48 : index
        %get3A_535 = tpu.vector_load %arg6[%get3A_531, %get3A_532, %get3A_533, %get3A_534] {strides = array<i32>} : memref<4x2x100x64xf32, #tpu.memory_space<vmem>>, vector<1x1x1x16xf32>,
        %get3A_536 = vector.shape_cast %get3A_535 : vector<1x1x1x16xf32> to vector<16xf32>
        %add3A_537 = arith.addf %add3A_497, %get3A_536 : vector<16xf32>
        %mul3A_538 = arith.constant 4 : i32
        %mul3A_539 = arith.muli %scan3A_374, %mul3A_538 : i32
        %add3A_540 = arith.constant 0 : i32
        %add3A_541 = arith.addi %mul3A_539, %add3A_540 : i32
        %get3A_542 = arith.constant 0 : i32
        %get3A_543 = arith.constant 1 : i32
        %get3A_544 = arith.index_cast %get3A_542 : i32 to index
        %get3A_545 = arith.index_cast %get3A_543 : i32 to index
        %get3A_546 = arith.index_cast %add3A_541 : i32 to index
        %get3A_547 = arith.constant 0 : index
        %get3A_548 = tpu.vector_load %arg6[%get3A_544, %get3A_545, %get3A_546, %get3A_547] {strides = array<i32>} : memref<4x2x100x64xf32, #tpu.memory_space<vmem>>, vector<1x1x1x16xf32>,
        %get3A_549 = vector.shape_cast %get3A_548 : vector<1x1x1x16xf32> to vector<16xf32>
        %add3A_550 = arith.addf %add3A_510, %get3A_549 : vector<16xf32>
        %get3A_551 = arith.constant 0 : i32
        %get3A_552 = arith.constant 1 : i32
        %get3A_553 = arith.index_cast %get3A_551 : i32 to index
        %get3A_554 = arith.index_cast %get3A_552 : i32 to index
        %get3A_555 = arith.index_cast %add3A_541 : i32 to index
        %get3A_556 = arith.constant 16 : index
        %get3A_557 = tpu.vector_load %arg6[%get3A_553, %get3A_554, %get3A_555, %get3A_556] {strides = array<i32>} : memref<4x2x100x64xf32, #tpu.memory_space<vmem>>, vector<1x1x1x16xf32>,
        %get3A_558 = vector.shape_cast %get3A_557 : vector<1x1x1x16xf32> to vector<16xf32>
        %add3A_559 = arith.addf %add3A_519, %get3A_558 : vector<16xf32>
        %get3A_560 = arith.constant 0 : i32
        %get3A_561 = arith.constant 1 : i32
        %get3A_562 = arith.index_cast %get3A_560 : i32 to index
        %get3A_563 = arith.index_cast %get3A_561 : i32 to index
        %get3A_564 = arith.index_cast %add3A_541 : i32 to index
        %get3A_565 = arith.constant 32 : index
        %get3A_566 = tpu.vector_load %arg6[%get3A_562, %get3A_563, %get3A_564, %get3A_565] {strides = array<i32>} : memref<4x2x100x64xf32, #tpu.memory_space<vmem>>, vector<1x1x1x16xf32>,
        %get3A_567 = vector.shape_cast %get3A_566 : vector<1x1x1x16xf32> to vector<16xf32>
        %add3A_568 = arith.addf %add3A_528, %get3A_567 : vector<16xf32>
        %get3A_569 = arith.constant 0 : i32
        %get3A_570 = arith.constant 1 : i32
        %get3A_571 = arith.index_cast %get3A_569 : i32 to index
        %get3A_572 = arith.index_cast %get3A_570 : i32 to index
        %get3A_573 = arith.index_cast %add3A_541 : i32 to index
        %get3A_574 = arith.constant 48 : index
        %get3A_575 = tpu.vector_load %arg6[%get3A_571, %get3A_572, %get3A_573, %get3A_574] {strides = array<i32>} : memref<4x2x100x64xf32, #tpu.memory_space<vmem>>, vector<1x1x1x16xf32>,
        %get3A_576 = vector.shape_cast %get3A_575 : vector<1x1x1x16xf32> to vector<16xf32>
        %add3A_577 = arith.addf %add3A_537, %get3A_576 : vector<16xf32>
        %mul3A_578 = arith.constant 4 : i32
        %mul3A_579 = arith.muli %scan3A_374, %mul3A_578 : i32
        %add3A_580 = arith.constant 1 : i32
        %add3A_581 = arith.addi %mul3A_579, %add3A_580 : i32
        %get3A_582 = arith.constant 0 : i32
        %get3A_583 = arith.constant 1 : i32
        %get3A_584 = arith.index_cast %get3A_582 : i32 to index
        %get3A_585 = arith.index_cast %get3A_583 : i32 to index
        %get3A_586 = arith.index_cast %add3A_581 : i32 to index
        %get3A_587 = arith.constant 0 : index
        %get3A_588 = tpu.vector_load %arg6[%get3A_584, %get3A_585, %get3A_586, %get3A_587] {strides = array<i32>} : memref<4x2x100x64xf32, #tpu.memory_space<vmem>>, vector<1x1x1x16xf32>,
        %get3A_589 = vector.shape_cast %get3A_588 : vector<1x1x1x16xf32> to vector<16xf32>
        %add3A_590 = arith.addf %add3A_550, %get3A_589 : vector<16xf32>
        %get3A_591 = arith.constant 0 : i32
        %get3A_592 = arith.constant 1 : i32
        %get3A_593 = arith.index_cast %get3A_591 : i32 to index
        %get3A_594 = arith.index_cast %get3A_592 : i32 to index
        %get3A_595 = arith.index_cast %add3A_581 : i32 to index
        %get3A_596 = arith.constant 16 : index
        %get3A_597 = tpu.vector_load %arg6[%get3A_593, %get3A_594, %get3A_595, %get3A_596] {strides = array<i32>} : memref<4x2x100x64xf32, #tpu.memory_space<vmem>>, vector<1x1x1x16xf32>,
        %get3A_598 = vector.shape_cast %get3A_597 : vector<1x1x1x16xf32> to vector<16xf32>
        %add3A_599 = arith.addf %add3A_559, %get3A_598 : vector<16xf32>
        %get3A_600 = arith.constant 0 : i32
        %get3A_601 = arith.constant 1 : i32
        %get3A_602 = arith.index_cast %get3A_600 : i32 to index
        %get3A_603 = arith.index_cast %get3A_601 : i32 to index
        %get3A_604 = arith.index_cast %add3A_581 : i32 to index
        %get3A_605 = arith.constant 32 : index
        %get3A_606 = tpu.vector_load %arg6[%get3A_602, %get3A_603, %get3A_604, %get3A_605] {strides = array<i32>} : memref<4x2x100x64xf32, #tpu.memory_space<vmem>>, vector<1x1x1x16xf32>,
        %get3A_607 = vector.shape_cast %get3A_606 : vector<1x1x1x16xf32> to vector<16xf32>
        %add3A_608 = arith.addf %add3A_568, %get3A_607 : vector<16xf32>
        %get3A_609 = arith.constant 0 : i32
        %get3A_610 = arith.constant 1 : i32
        %get3A_611 = arith.index_cast %get3A_609 : i32 to index
        %get3A_612 = arith.index_cast %get3A_610 : i32 to index
        %get3A_613 = arith.index_cast %add3A_581 : i32 to index
        %get3A_614 = arith.constant 48 : index
        %get3A_615 = tpu.vector_load %arg6[%get3A_611, %get3A_612, %get3A_613, %get3A_614] {strides = array<i32>} : memref<4x2x100x64xf32, #tpu.memory_space<vmem>>, vector<1x1x1x16xf32>,
        %get3A_616 = vector.shape_cast %get3A_615 : vector<1x1x1x16xf32> to vector<16xf32>
        %add3A_617 = arith.addf %add3A_577, %get3A_616 : vector<16xf32>
        %mul3A_618 = arith.constant 4 : i32
        %mul3A_619 = arith.muli %scan3A_374, %mul3A_618 : i32
        %add3A_620 = arith.constant 2 : i32
        %add3A_621 = arith.addi %mul3A_619, %add3A_620 : i32
        %get3A_622 = arith.constant 0 : i32
        %get3A_623 = arith.constant 1 : i32
        %get3A_624 = arith.index_cast %get3A_622 : i32 to index
        %get3A_625 = arith.index_cast %get3A_623 : i32 to index
        %get3A_626 = arith.index_cast %add3A_621 : i32 to index
        %get3A_627 = arith.constant 0 : index
        %get3A_628 = tpu.vector_load %arg6[%get3A_624, %get3A_625, %get3A_626, %get3A_627] {strides = array<i32>} : memref<4x2x100x64xf32, #tpu.memory_space<vmem>>, vector<1x1x1x16xf32>,
        %get3A_629 = vector.shape_cast %get3A_628 : vector<1x1x1x16xf32> to vector<16xf32>
        %add3A_630 = arith.addf %add3A_590, %get3A_629 : vector<16xf32>
        %get3A_631 = arith.constant 0 : i32
        %get3A_632 = arith.constant 1 : i32
        %get3A_633 = arith.index_cast %get3A_631 : i32 to index
        %get3A_634 = arith.index_cast %get3A_632 : i32 to index
        %get3A_635 = arith.index_cast %add3A_621 : i32 to index
        %get3A_636 = arith.constant 16 : index
        %get3A_637 = tpu.vector_load %arg6[%get3A_633, %get3A_634, %get3A_635, %get3A_636] {strides = array<i32>} : memref<4x2x100x64xf32, #tpu.memory_space<vmem>>, vector<1x1x1x16xf32>,
        %get3A_638 = vector.shape_cast %get3A_637 : vector<1x1x1x16xf32> to vector<16xf32>
        %add3A_639 = arith.addf %add3A_599, %get3A_638 : vector<16xf32>
        %get3A_640 = arith.constant 0 : i32
        %get3A_641 = arith.constant 1 : i32
        %get3A_642 = arith.index_cast %get3A_640 : i32 to index
        %get3A_643 = arith.index_cast %get3A_641 : i32 to index
        %get3A_644 = arith.index_cast %add3A_621 : i32 to index
        %get3A_645 = arith.constant 32 : index
        %get3A_646 = tpu.vector_load %arg6[%get3A_642, %get3A_643, %get3A_644, %get3A_645] {strides = array<i32>} : memref<4x2x100x64xf32, #tpu.memory_space<vmem>>, vector<1x1x1x16xf32>,
        %get3A_647 = vector.shape_cast %get3A_646 : vector<1x1x1x16xf32> to vector<16xf32>
        %add3A_648 = arith.addf %add3A_608, %get3A_647 : vector<16xf32>
        %get3A_649 = arith.constant 0 : i32
        %get3A_650 = arith.constant 1 : i32
        %get3A_651 = arith.index_cast %get3A_649 : i32 to index
        %get3A_652 = arith.index_cast %get3A_650 : i32 to index
        %get3A_653 = arith.index_cast %add3A_621 : i32 to index
        %get3A_654 = arith.constant 48 : index
        %get3A_655 = tpu.vector_load %arg6[%get3A_651, %get3A_652, %get3A_653, %get3A_654] {strides = array<i32>} : memref<4x2x100x64xf32, #tpu.memory_space<vmem>>, vector<1x1x1x16xf32>,
        %get3A_656 = vector.shape_cast %get3A_655 : vector<1x1x1x16xf32> to vector<16xf32>
        %add3A_657 = arith.addf %add3A_617, %get3A_656 : vector<16xf32>
        %mul3A_658 = arith.constant 4 : i32
        %mul3A_659 = arith.muli %scan3A_374, %mul3A_658 : i32
        %add3A_660 = arith.constant 3 : i32
        %add3A_661 = arith.addi %mul3A_659, %add3A_660 : i32
        %get3A_662 = arith.constant 0 : i32
        %get3A_663 = arith.constant 1 : i32
        %get3A_664 = arith.index_cast %get3A_662 : i32 to index
        %get3A_665 = arith.index_cast %get3A_663 : i32 to index
        %get3A_666 = arith.index_cast %add3A_661 : i32 to index
        %get3A_667 = arith.constant 0 : index
        %get3A_668 = tpu.vector_load %arg6[%get3A_664, %get3A_665, %get3A_666, %get3A_667] {strides = array<i32>} : memref<4x2x100x64xf32, #tpu.memory_space<vmem>>, vector<1x1x1x16xf32>,
        %get3A_669 = vector.shape_cast %get3A_668 : vector<1x1x1x16xf32> to vector<16xf32>
        %add3A_670 = arith.addf %add3A_630, %get3A_669 : vector<16xf32>
        %get3A_671 = arith.constant 0 : i32
        %get3A_672 = arith.constant 1 : i32
        %get3A_673 = arith.index_cast %get3A_671 : i32 to index
        %get3A_674 = arith.index_cast %get3A_672 : i32 to index
        %get3A_675 = arith.index_cast %add3A_661 : i32 to index
        %get3A_676 = arith.constant 16 : index
        %get3A_677 = tpu.vector_load %arg6[%get3A_673, %get3A_674, %get3A_675, %get3A_676] {strides = array<i32>} : memref<4x2x100x64xf32, #tpu.memory_space<vmem>>, vector<1x1x1x16xf32>,
        %get3A_678 = vector.shape_cast %get3A_677 : vector<1x1x1x16xf32> to vector<16xf32>
        %add3A_679 = arith.addf %add3A_639, %get3A_678 : vector<16xf32>
        %get3A_680 = arith.constant 0 : i32
        %get3A_681 = arith.constant 1 : i32
        %get3A_682 = arith.index_cast %get3A_680 : i32 to index
        %get3A_683 = arith.index_cast %get3A_681 : i32 to index
        %get3A_684 = arith.index_cast %add3A_661 : i32 to index
        %get3A_685 = arith.constant 32 : index
        %get3A_686 = tpu.vector_load %arg6[%get3A_682, %get3A_683, %get3A_684, %get3A_685] {strides = array<i32>} : memref<4x2x100x64xf32, #tpu.memory_space<vmem>>, vector<1x1x1x16xf32>,
        %get3A_687 = vector.shape_cast %get3A_686 : vector<1x1x1x16xf32> to vector<16xf32>
        %add3A_688 = arith.addf %add3A_648, %get3A_687 : vector<16xf32>
        %get3A_689 = arith.constant 0 : i32
        %get3A_690 = arith.constant 1 : i32
        %get3A_691 = arith.index_cast %get3A_689 : i32 to index
        %get3A_692 = arith.index_cast %get3A_690 : i32 to index
        %get3A_693 = arith.index_cast %add3A_661 : i32 to index
        %get3A_694 = arith.constant 48 : index
        %get3A_695 = tpu.vector_load %arg6[%get3A_691, %get3A_692, %get3A_693, %get3A_694] {strides = array<i32>} : memref<4x2x100x64xf32, #tpu.memory_space<vmem>>, vector<1x1x1x16xf32>,
        %get3A_696 = vector.shape_cast %get3A_695 : vector<1x1x1x16xf32> to vector<16xf32>
        %add3A_697 = arith.addf %add3A_657, %get3A_696 : vector<16xf32>
        scf.yield %add3A_670, %add3A_679, %add3A_688, %add3A_697 : vector<16xf32>, vector<16xf32>, vector<16xf32>, vector<16xf32>
      }
      %scan3A_159 = arith.constant 25 : i32
      %swap3A = arith.index_cast %add3A_123 : i32 to index
      %swap3A_160 = arith.constant 0 : index
      %swap3A_161 = tpu.vector_load %arg7[%swap3A, %swap3A_160] {strides = array<i32>} : memref<128x64xf32, #tpu.memory_space<vmem>>, vector<1x16xf32>,
      %swap3A_162 = vector.shape_cast %swap3A_161 : vector<1x16xf32> to vector<16xf32>
      %swap3A_163 = vector.shape_cast %scan3A_158#0 : vector<16xf32> to vector<1x16xf32>
      tpu.vector_store %arg7[%swap3A, %swap3A_160], %swap3A_163 {strides = array<i32>} : memref<128x64xf32, #tpu.memory_space<vmem>>, vector<1x16xf32>,
      %swap3A_164 = arith.index_cast %add3A_123 : i32 to index
      %swap3A_165 = arith.constant 16 : index
      %swap3A_166 = tpu.vector_load %arg7[%swap3A_164, %swap3A_165] {strides = array<i32>} : memref<128x64xf32, #tpu.memory_space<vmem>>, vector<1x16xf32>,
      %swap3A_167 = vector.shape_cast %swap3A_166 : vector<1x16xf32> to vector<16xf32>
      %swap3A_168 = vector.shape_cast %scan3A_158#1 : vector<16xf32> to vector<1x16xf32>
      tpu.vector_store %arg7[%swap3A_164, %swap3A_165], %swap3A_168 {strides = array<i32>} : memref<128x64xf32, #tpu.memory_space<vmem>>, vector<1x16xf32>,
      %swap3A_169 = arith.index_cast %add3A_123 : i32 to index
      %swap3A_170 = arith.constant 32 : index
      %swap3A_171 = tpu.vector_load %arg7[%swap3A_169, %swap3A_170] {strides = array<i32>} : memref<128x64xf32, #tpu.memory_space<vmem>>, vector<1x16xf32>,
      %swap3A_172 = vector.shape_cast %swap3A_171 : vector<1x16xf32> to vector<16xf32>
      %swap3A_173 = vector.shape_cast %scan3A_158#2 : vector<16xf32> to vector<1x16xf32>
      tpu.vector_store %arg7[%swap3A_169, %swap3A_170], %swap3A_173 {strides = array<i32>} : memref<128x64xf32, #tpu.memory_space<vmem>>, vector<1x16xf32>,
      %swap3A_174 = arith.index_cast %add3A_123 : i32 to index
      %swap3A_175 = arith.constant 48 : index
      %swap3A_176 = tpu.vector_load %arg7[%swap3A_174, %swap3A_175] {strides = array<i32>} : memref<128x64xf32, #tpu.memory_space<vmem>>, vector<1x16xf32>,
      %swap3A_177 = vector.shape_cast %swap3A_176 : vector<1x16xf32> to vector<16xf32>
      %swap3A_178 = vector.shape_cast %scan3A_158#3 : vector<16xf32> to vector<1x16xf32>
      tpu.vector_store %arg7[%swap3A_174, %swap3A_175], %swap3A_178 {strides = array<i32>} : memref<128x64xf32, #tpu.memory_space<vmem>>, vector<1x16xf32>,
      %mul3A_179 = arith.constant 4 : i32
      %mul3A_180 = arith.muli %scan3A_119, %mul3A_179 : i32
      %add3A_181 = arith.constant 1 : i32
      %add3A_182 = arith.addi %mul3A_180, %add3A_181 : i32
      %dma_wait3A_183 = arith.constant 0 : i32
      %dma_wait3A_184 = arith.constant 1 : i32
      %dma_wait3A_185 = arith.constant 0 : i32
      %dma_wait3A_186 = arith.constant 0 : i32
      %dma_wait3A_187 = arith.constant 0 : i32
      %dma_wait3A_188 = tpu.memref_slice %arg6[%dma_wait3A_184, %dma_wait3A_185, %dma_wait3A_186, %dma_wait3A_187] : memref<4x2x100x64xf32, #tpu.memory_space<vmem>> -> memref<1x1x100x64xf32, #tpu.memory_space<vmem>>
      %dma_wait3A_189 = tpu.memref_squeeze %dma_wait3A_188 : memref<1x1x100x64xf32, #tpu.memory_space<vmem>> -> memref<100x64xf32, #tpu.memory_space<vmem>>
      %dma_wait3A_190 = arith.constant 0 : i32
      %dma_wait3A_191 = tpu.memref_slice %arg5[%add3A_182, %dma_wait3A_183, %dma_wait3A_190] : memref<128x2x100xi32, #tpu.memory_space<vmem>> -> memref<1x1x100xi32, #tpu.memory_space<vmem>>
      %dma_wait3A_192 = tpu.memref_squeeze %dma_wait3A_191 : memref<1x1x100xi32, #tpu.memory_space<vmem>> -> memref<100xi32, #tpu.memory_space<vmem>>
      %dma_wait3A_193 = arith.constant 0 : i32
      %dma_wait3A_194 = arith.constant 0 : i32
      %dma_wait3A_195 = tpu.memref_slice %arg3[%dma_wait3A_193, %dma_wait3A_194] : memref<1003520x64xf32, #tpu.memory_space<hbm>> -> memref<1003520x64xf32, #tpu.memory_space<hbm>>
      tpu.wait_indirect_dma semaphore(%arg9 : memref<!tpu.dma_semaphore, #tpu.memory_space<semaphore_mem>>) src(%dma_wait3A_195 : memref<1003520x64xf32, #tpu.memory_space<hbm>>) dst(%dma_wait3A_189 : memref<100x64xf32, #tpu.memory_space<vmem>>)
      %dma_wait3A_196 = arith.constant 1 : i32
      %dma_wait3A_197 = arith.constant 1 : i32
      %dma_wait3A_198 = arith.constant 1 : i32
      %dma_wait3A_199 = arith.constant 0 : i32
      %dma_wait3A_200 = arith.constant 0 : i32
      %dma_wait3A_201 = tpu.memref_slice %arg6[%dma_wait3A_197, %dma_wait3A_198, %dma_wait3A_199, %dma_wait3A_200] : memref<4x2x100x64xf32, #tpu.memory_space<vmem>> -> memref<1x1x100x64xf32, #tpu.memory_space<vmem>>
      %dma_wait3A_202 = tpu.memref_squeeze %dma_wait3A_201 : memref<1x1x100x64xf32, #tpu.memory_space<vmem>> -> memref<100x64xf32, #tpu.memory_space<vmem>>
      %dma_wait3A_203 = arith.constant 0 : i32
      %dma_wait3A_204 = tpu.memref_slice %arg5[%add3A_182, %dma_wait3A_196, %dma_wait3A_203] : memref<128x2x100xi32, #tpu.memory_space<vmem>> -> memref<1x1x100xi32, #tpu.memory_space<vmem>>
      %dma_wait3A_205 = tpu.memref_squeeze %dma_wait3A_204 : memref<1x1x100xi32, #tpu.memory_space<vmem>> -> memref<100xi32, #tpu.memory_space<vmem>>
      %dma_wait3A_206 = arith.constant 0 : i32
      %dma_wait3A_207 = arith.constant 0 : i32
      %dma_wait3A_208 = tpu.memref_slice %arg3[%dma_wait3A_206, %dma_wait3A_207] : memref<1003520x64xf32, #tpu.memory_space<hbm>> -> memref<1003520x64xf32, #tpu.memory_space<hbm>>
      tpu.wait_indirect_dma semaphore(%arg9 : memref<!tpu.dma_semaphore, #tpu.memory_space<semaphore_mem>>) src(%dma_wait3A_208 : memref<1003520x64xf32, #tpu.memory_space<hbm>>) dst(%dma_wait3A_202 : memref<100x64xf32, #tpu.memory_space<vmem>>)
      %add3A_209 = arith.constant 4 : i32
      %add3A_210 = arith.addi %add3A_182, %add3A_209 : i32
      %lt3A_211 = arith.constant 128 : i32
      %lt3A_212 = arith.cmpi slt, %add3A_210, %lt3A_211 : i32
      %convert_element_type3A_213 = arith.extui %lt3A_212 : i1 to i32
      %cond3A_214 = arith.constant 0 : i32
      %cond3A_215 = arith.cmpi ne, %convert_element_type3A_213, %cond3A_214 : i32
      scf.if %cond3A_215 {
        %dma_start3A_374 = arith.constant 0 : i32
        %dma_start3A_375 = arith.constant 1 : i32
        %dma_start3A_376 = arith.constant 0 : i32
        %dma_start3A_377 = arith.constant 0 : i32
        %dma_start3A_378 = arith.constant 0 : i32
        %dma_start3A_379 = tpu.memref_slice %arg6[%dma_start3A_375, %dma_start3A_376, %dma_start3A_377, %dma_start3A_378] : memref<4x2x100x64xf32, #tpu.memory_space<vmem>> -> memref<1x1x100x64xf32, #tpu.memory_space<vmem>>
        %dma_start3A_380 = tpu.memref_squeeze %dma_start3A_379 : memref<1x1x100x64xf32, #tpu.memory_space<vmem>> -> memref<100x64xf32, #tpu.memory_space<vmem>>
        %dma_start3A_381 = arith.constant 0 : i32
        %dma_start3A_382 = tpu.memref_slice %arg5[%add3A_210, %dma_start3A_374, %dma_start3A_381] : memref<128x2x100xi32, #tpu.memory_space<vmem>> -> memref<1x1x100xi32, #tpu.memory_space<vmem>>
        %dma_start3A_383 = tpu.memref_squeeze %dma_start3A_382 : memref<1x1x100xi32, #tpu.memory_space<vmem>> -> memref<100xi32, #tpu.memory_space<vmem>>
        %dma_start3A_384 = arith.constant 0 : i32
        %dma_start3A_385 = arith.constant 0 : i32
        %dma_start3A_386 = tpu.memref_slice %arg3[%dma_start3A_384, %dma_start3A_385] : memref<1003520x64xf32, #tpu.memory_space<hbm>> -> memref<1003520x64xf32, #tpu.memory_space<hbm>>
        tpu.enqueue_indirect_dma source(%dma_start3A_386 : memref<1003520x64xf32, #tpu.memory_space<hbm>>) target(%dma_start3A_380 : memref<100x64xf32, #tpu.memory_space<vmem>>) offsets(%dma_start3A_383 : memref<100xi32, #tpu.memory_space<vmem>>) semaphore(%arg9 : memref<!tpu.dma_semaphore, #tpu.memory_space<semaphore_mem>>)
        %dma_start3A_387 = arith.constant 1 : i32
        %dma_start3A_388 = arith.constant 1 : i32
        %dma_start3A_389 = arith.constant 1 : i32
        %dma_start3A_390 = arith.constant 0 : i32
        %dma_start3A_391 = arith.constant 0 : i32
        %dma_start3A_392 = tpu.memref_slice %arg6[%dma_start3A_388, %dma_start3A_389, %dma_start3A_390, %dma_start3A_391] : memref<4x2x100x64xf32, #tpu.memory_space<vmem>> -> memref<1x1x100x64xf32, #tpu.memory_space<vmem>>
        %dma_start3A_393 = tpu.memref_squeeze %dma_start3A_392 : memref<1x1x100x64xf32, #tpu.memory_space<vmem>> -> memref<100x64xf32, #tpu.memory_space<vmem>>
        %dma_start3A_394 = arith.constant 0 : i32
        %dma_start3A_395 = tpu.memref_slice %arg5[%add3A_210, %dma_start3A_387, %dma_start3A_394] : memref<128x2x100xi32, #tpu.memory_space<vmem>> -> memref<1x1x100xi32, #tpu.memory_space<vmem>>
        %dma_start3A_396 = tpu.memref_squeeze %dma_start3A_395 : memref<1x1x100xi32, #tpu.memory_space<vmem>> -> memref<100xi32, #tpu.memory_space<vmem>>
        %dma_start3A_397 = arith.constant 0 : i32
        %dma_start3A_398 = arith.constant 0 : i32
        %dma_start3A_399 = tpu.memref_slice %arg3[%dma_start3A_397, %dma_start3A_398] : memref<1003520x64xf32, #tpu.memory_space<hbm>> -> memref<1003520x64xf32, #tpu.memory_space<hbm>>
        tpu.enqueue_indirect_dma source(%dma_start3A_399 : memref<1003520x64xf32, #tpu.memory_space<hbm>>) target(%dma_start3A_393 : memref<100x64xf32, #tpu.memory_space<vmem>>) offsets(%dma_start3A_396 : memref<100xi32, #tpu.memory_space<vmem>>) semaphore(%arg9 : memref<!tpu.dma_semaphore, #tpu.memory_space<semaphore_mem>>)
      } else {
      }
      %broadcast_in_dim3A_216 = arith.constant 0.000000e+00 : f32
      %broadcast_in_dim3A_217 = vector.broadcast %broadcast_in_dim3A_216 : f32 to vector<16xf32>
      %scan3A_218 = arith.constant 0 : i32
      %scan3A_219 = arith.constant 25 : i32
      %scan3A_220 = arith.addi %scan3A_218, %scan3A_219 : i32
      %scan3A_221 = arith.constant 1 : i32
      %scan3A_222:4 = scf.for %scan3A_374 = %scan3A_218 to %scan3A_220 step %scan3A_221 iter_args(%scan3A_375 = %broadcast_in_dim3A_217, %scan3A_376 = %broadcast_in_dim3A_217, %scan3A_377 = %broadcast_in_dim3A_217, %scan3A_378 = %broadcast_in_dim3A_217) -> (vector<16xf32>, vector<16xf32>, vector<16xf32>, vector<16xf32>)  : i32 {
        %mul3A_379 = arith.constant 4 : i32
        %mul3A_380 = arith.muli %scan3A_374, %mul3A_379 : i32
        %add3A_381 = arith.constant 0 : i32
        %add3A_382 = arith.addi %mul3A_380, %add3A_381 : i32
        %get3A = arith.constant 1 : i32
        %get3A_383 = arith.constant 0 : i32
        %get3A_384 = arith.index_cast %get3A : i32 to index
        %get3A_385 = arith.index_cast %get3A_383 : i32 to index
        %get3A_386 = arith.index_cast %add3A_382 : i32 to index
        %get3A_387 = arith.constant 0 : index
        %get3A_388 = tpu.vector_load %arg6[%get3A_384, %get3A_385, %get3A_386, %get3A_387] {strides = array<i32>} : memref<4x2x100x64xf32, #tpu.memory_space<vmem>>, vector<1x1x1x16xf32>,
        %get3A_389 = vector.shape_cast %get3A_388 : vector<1x1x1x16xf32> to vector<16xf32>
        %add3A_390 = arith.addf %scan3A_375, %get3A_389 : vector<16xf32>
        %get3A_391 = arith.constant 1 : i32
        %get3A_392 = arith.constant 0 : i32
        %get3A_393 = arith.index_cast %get3A_391 : i32 to index
        %get3A_394 = arith.index_cast %get3A_392 : i32 to index
        %get3A_395 = arith.index_cast %add3A_382 : i32 to index
        %get3A_396 = arith.constant 16 : index
        %get3A_397 = tpu.vector_load %arg6[%get3A_393, %get3A_394, %get3A_395, %get3A_396] {strides = array<i32>} : memref<4x2x100x64xf32, #tpu.memory_space<vmem>>, vector<1x1x1x16xf32>,
        %get3A_398 = vector.shape_cast %get3A_397 : vector<1x1x1x16xf32> to vector<16xf32>
        %add3A_399 = arith.addf %scan3A_376, %get3A_398 : vector<16xf32>
        %get3A_400 = arith.constant 1 : i32
        %get3A_401 = arith.constant 0 : i32
        %get3A_402 = arith.index_cast %get3A_400 : i32 to index
        %get3A_403 = arith.index_cast %get3A_401 : i32 to index
        %get3A_404 = arith.index_cast %add3A_382 : i32 to index
        %get3A_405 = arith.constant 32 : index
        %get3A_406 = tpu.vector_load %arg6[%get3A_402, %get3A_403, %get3A_404, %get3A_405] {strides = array<i32>} : memref<4x2x100x64xf32, #tpu.memory_space<vmem>>, vector<1x1x1x16xf32>,
        %get3A_407 = vector.shape_cast %get3A_406 : vector<1x1x1x16xf32> to vector<16xf32>
        %add3A_408 = arith.addf %scan3A_377, %get3A_407 : vector<16xf32>
        %get3A_409 = arith.constant 1 : i32
        %get3A_410 = arith.constant 0 : i32
        %get3A_411 = arith.index_cast %get3A_409 : i32 to index
        %get3A_412 = arith.index_cast %get3A_410 : i32 to index
        %get3A_413 = arith.index_cast %add3A_382 : i32 to index
        %get3A_414 = arith.constant 48 : index
        %get3A_415 = tpu.vector_load %arg6[%get3A_411, %get3A_412, %get3A_413, %get3A_414] {strides = array<i32>} : memref<4x2x100x64xf32, #tpu.memory_space<vmem>>, vector<1x1x1x16xf32>,
        %get3A_416 = vector.shape_cast %get3A_415 : vector<1x1x1x16xf32> to vector<16xf32>
        %add3A_417 = arith.addf %scan3A_378, %get3A_416 : vector<16xf32>
        %mul3A_418 = arith.constant 4 : i32
        %mul3A_419 = arith.muli %scan3A_374, %mul3A_418 : i32
        %add3A_420 = arith.constant 1 : i32
        %add3A_421 = arith.addi %mul3A_419, %add3A_420 : i32
        %get3A_422 = arith.constant 1 : i32
        %get3A_423 = arith.constant 0 : i32
        %get3A_424 = arith.index_cast %get3A_422 : i32 to index
        %get3A_425 = arith.index_cast %get3A_423 : i32 to index
        %get3A_426 = arith.index_cast %add3A_421 : i32 to index
        %get3A_427 = arith.constant 0 : index
        %get3A_428 = tpu.vector_load %arg6[%get3A_424, %get3A_425, %get3A_426, %get3A_427] {strides = array<i32>} : memref<4x2x100x64xf32, #tpu.memory_space<vmem>>, vector<1x1x1x16xf32>,
        %get3A_429 = vector.shape_cast %get3A_428 : vector<1x1x1x16xf32> to vector<16xf32>
        %add3A_430 = arith.addf %add3A_390, %get3A_429 : vector<16xf32>
        %get3A_431 = arith.constant 1 : i32
        %get3A_432 = arith.constant 0 : i32
        %get3A_433 = arith.index_cast %get3A_431 : i32 to index
        %get3A_434 = arith.index_cast %get3A_432 : i32 to index
        %get3A_435 = arith.index_cast %add3A_421 : i32 to index
        %get3A_436 = arith.constant 16 : index
        %get3A_437 = tpu.vector_load %arg6[%get3A_433, %get3A_434, %get3A_435, %get3A_436] {strides = array<i32>} : memref<4x2x100x64xf32, #tpu.memory_space<vmem>>, vector<1x1x1x16xf32>,
        %get3A_438 = vector.shape_cast %get3A_437 : vector<1x1x1x16xf32> to vector<16xf32>
        %add3A_439 = arith.addf %add3A_399, %get3A_438 : vector<16xf32>
        %get3A_440 = arith.constant 1 : i32
        %get3A_441 = arith.constant 0 : i32
        %get3A_442 = arith.index_cast %get3A_440 : i32 to index
        %get3A_443 = arith.index_cast %get3A_441 : i32 to index
        %get3A_444 = arith.index_cast %add3A_421 : i32 to index
        %get3A_445 = arith.constant 32 : index
        %get3A_446 = tpu.vector_load %arg6[%get3A_442, %get3A_443, %get3A_444, %get3A_445] {strides = array<i32>} : memref<4x2x100x64xf32, #tpu.memory_space<vmem>>, vector<1x1x1x16xf32>,
        %get3A_447 = vector.shape_cast %get3A_446 : vector<1x1x1x16xf32> to vector<16xf32>
        %add3A_448 = arith.addf %add3A_408, %get3A_447 : vector<16xf32>
        %get3A_449 = arith.constant 1 : i32
        %get3A_450 = arith.constant 0 : i32
        %get3A_451 = arith.index_cast %get3A_449 : i32 to index
        %get3A_452 = arith.index_cast %get3A_450 : i32 to index
        %get3A_453 = arith.index_cast %add3A_421 : i32 to index
        %get3A_454 = arith.constant 48 : index
        %get3A_455 = tpu.vector_load %arg6[%get3A_451, %get3A_452, %get3A_453, %get3A_454] {strides = array<i32>} : memref<4x2x100x64xf32, #tpu.memory_space<vmem>>, vector<1x1x1x16xf32>,
        %get3A_456 = vector.shape_cast %get3A_455 : vector<1x1x1x16xf32> to vector<16xf32>
        %add3A_457 = arith.addf %add3A_417, %get3A_456 : vector<16xf32>
        %mul3A_458 = arith.constant 4 : i32
        %mul3A_459 = arith.muli %scan3A_374, %mul3A_458 : i32
        %add3A_460 = arith.constant 2 : i32
        %add3A_461 = arith.addi %mul3A_459, %add3A_460 : i32
        %get3A_462 = arith.constant 1 : i32
        %get3A_463 = arith.constant 0 : i32
        %get3A_464 = arith.index_cast %get3A_462 : i32 to index
        %get3A_465 = arith.index_cast %get3A_463 : i32 to index
        %get3A_466 = arith.index_cast %add3A_461 : i32 to index
        %get3A_467 = arith.constant 0 : index
        %get3A_468 = tpu.vector_load %arg6[%get3A_464, %get3A_465, %get3A_466, %get3A_467] {strides = array<i32>} : memref<4x2x100x64xf32, #tpu.memory_space<vmem>>, vector<1x1x1x16xf32>,
        %get3A_469 = vector.shape_cast %get3A_468 : vector<1x1x1x16xf32> to vector<16xf32>
        %add3A_470 = arith.addf %add3A_430, %get3A_469 : vector<16xf32>
        %get3A_471 = arith.constant 1 : i32
        %get3A_472 = arith.constant 0 : i32
        %get3A_473 = arith.index_cast %get3A_471 : i32 to index
        %get3A_474 = arith.index_cast %get3A_472 : i32 to index
        %get3A_475 = arith.index_cast %add3A_461 : i32 to index
        %get3A_476 = arith.constant 16 : index
        %get3A_477 = tpu.vector_load %arg6[%get3A_473, %get3A_474, %get3A_475, %get3A_476] {strides = array<i32>} : memref<4x2x100x64xf32, #tpu.memory_space<vmem>>, vector<1x1x1x16xf32>,
        %get3A_478 = vector.shape_cast %get3A_477 : vector<1x1x1x16xf32> to vector<16xf32>
        %add3A_479 = arith.addf %add3A_439, %get3A_478 : vector<16xf32>
        %get3A_480 = arith.constant 1 : i32
        %get3A_481 = arith.constant 0 : i32
        %get3A_482 = arith.index_cast %get3A_480 : i32 to index
        %get3A_483 = arith.index_cast %get3A_481 : i32 to index
        %get3A_484 = arith.index_cast %add3A_461 : i32 to index
        %get3A_485 = arith.constant 32 : index
        %get3A_486 = tpu.vector_load %arg6[%get3A_482, %get3A_483, %get3A_484, %get3A_485] {strides = array<i32>} : memref<4x2x100x64xf32, #tpu.memory_space<vmem>>, vector<1x1x1x16xf32>,
        %get3A_487 = vector.shape_cast %get3A_486 : vector<1x1x1x16xf32> to vector<16xf32>
        %add3A_488 = arith.addf %add3A_448, %get3A_487 : vector<16xf32>
        %get3A_489 = arith.constant 1 : i32
        %get3A_490 = arith.constant 0 : i32
        %get3A_491 = arith.index_cast %get3A_489 : i32 to index
        %get3A_492 = arith.index_cast %get3A_490 : i32 to index
        %get3A_493 = arith.index_cast %add3A_461 : i32 to index
        %get3A_494 = arith.constant 48 : index
        %get3A_495 = tpu.vector_load %arg6[%get3A_491, %get3A_492, %get3A_493, %get3A_494] {strides = array<i32>} : memref<4x2x100x64xf32, #tpu.memory_space<vmem>>, vector<1x1x1x16xf32>,
        %get3A_496 = vector.shape_cast %get3A_495 : vector<1x1x1x16xf32> to vector<16xf32>
        %add3A_497 = arith.addf %add3A_457, %get3A_496 : vector<16xf32>
        %mul3A_498 = arith.constant 4 : i32
        %mul3A_499 = arith.muli %scan3A_374, %mul3A_498 : i32
        %add3A_500 = arith.constant 3 : i32
        %add3A_501 = arith.addi %mul3A_499, %add3A_500 : i32
        %get3A_502 = arith.constant 1 : i32
        %get3A_503 = arith.constant 0 : i32
        %get3A_504 = arith.index_cast %get3A_502 : i32 to index
        %get3A_505 = arith.index_cast %get3A_503 : i32 to index
        %get3A_506 = arith.index_cast %add3A_501 : i32 to index
        %get3A_507 = arith.constant 0 : index
        %get3A_508 = tpu.vector_load %arg6[%get3A_504, %get3A_505, %get3A_506, %get3A_507] {strides = array<i32>} : memref<4x2x100x64xf32, #tpu.memory_space<vmem>>, vector<1x1x1x16xf32>,
        %get3A_509 = vector.shape_cast %get3A_508 : vector<1x1x1x16xf32> to vector<16xf32>
        %add3A_510 = arith.addf %add3A_470, %get3A_509 : vector<16xf32>
        %get3A_511 = arith.constant 1 : i32
        %get3A_512 = arith.constant 0 : i32
        %get3A_513 = arith.index_cast %get3A_511 : i32 to index
        %get3A_514 = arith.index_cast %get3A_512 : i32 to index
        %get3A_515 = arith.index_cast %add3A_501 : i32 to index
        %get3A_516 = arith.constant 16 : index
        %get3A_517 = tpu.vector_load %arg6[%get3A_513, %get3A_514, %get3A_515, %get3A_516] {strides = array<i32>} : memref<4x2x100x64xf32, #tpu.memory_space<vmem>>, vector<1x1x1x16xf32>,
        %get3A_518 = vector.shape_cast %get3A_517 : vector<1x1x1x16xf32> to vector<16xf32>
        %add3A_519 = arith.addf %add3A_479, %get3A_518 : vector<16xf32>
        %get3A_520 = arith.constant 1 : i32
        %get3A_521 = arith.constant 0 : i32
        %get3A_522 = arith.index_cast %get3A_520 : i32 to index
        %get3A_523 = arith.index_cast %get3A_521 : i32 to index
        %get3A_524 = arith.index_cast %add3A_501 : i32 to index
        %get3A_525 = arith.constant 32 : index
        %get3A_526 = tpu.vector_load %arg6[%get3A_522, %get3A_523, %get3A_524, %get3A_525] {strides = array<i32>} : memref<4x2x100x64xf32, #tpu.memory_space<vmem>>, vector<1x1x1x16xf32>,
        %get3A_527 = vector.shape_cast %get3A_526 : vector<1x1x1x16xf32> to vector<16xf32>
        %add3A_528 = arith.addf %add3A_488, %get3A_527 : vector<16xf32>
        %get3A_529 = arith.constant 1 : i32
        %get3A_530 = arith.constant 0 : i32
        %get3A_531 = arith.index_cast %get3A_529 : i32 to index
        %get3A_532 = arith.index_cast %get3A_530 : i32 to index
        %get3A_533 = arith.index_cast %add3A_501 : i32 to index
        %get3A_534 = arith.constant 48 : index
        %get3A_535 = tpu.vector_load %arg6[%get3A_531, %get3A_532, %get3A_533, %get3A_534] {strides = array<i32>} : memref<4x2x100x64xf32, #tpu.memory_space<vmem>>, vector<1x1x1x16xf32>,
        %get3A_536 = vector.shape_cast %get3A_535 : vector<1x1x1x16xf32> to vector<16xf32>
        %add3A_537 = arith.addf %add3A_497, %get3A_536 : vector<16xf32>
        %mul3A_538 = arith.constant 4 : i32
        %mul3A_539 = arith.muli %scan3A_374, %mul3A_538 : i32
        %add3A_540 = arith.constant 0 : i32
        %add3A_541 = arith.addi %mul3A_539, %add3A_540 : i32
        %get3A_542 = arith.constant 1 : i32
        %get3A_543 = arith.constant 1 : i32
        %get3A_544 = arith.index_cast %get3A_542 : i32 to index
        %get3A_545 = arith.index_cast %get3A_543 : i32 to index
        %get3A_546 = arith.index_cast %add3A_541 : i32 to index
        %get3A_547 = arith.constant 0 : index
        %get3A_548 = tpu.vector_load %arg6[%get3A_544, %get3A_545, %get3A_546, %get3A_547] {strides = array<i32>} : memref<4x2x100x64xf32, #tpu.memory_space<vmem>>, vector<1x1x1x16xf32>,
        %get3A_549 = vector.shape_cast %get3A_548 : vector<1x1x1x16xf32> to vector<16xf32>
        %add3A_550 = arith.addf %add3A_510, %get3A_549 : vector<16xf32>
        %get3A_551 = arith.constant 1 : i32
        %get3A_552 = arith.constant 1 : i32
        %get3A_553 = arith.index_cast %get3A_551 : i32 to index
        %get3A_554 = arith.index_cast %get3A_552 : i32 to index
        %get3A_555 = arith.index_cast %add3A_541 : i32 to index
        %get3A_556 = arith.constant 16 : index
        %get3A_557 = tpu.vector_load %arg6[%get3A_553, %get3A_554, %get3A_555, %get3A_556] {strides = array<i32>} : memref<4x2x100x64xf32, #tpu.memory_space<vmem>>, vector<1x1x1x16xf32>,
        %get3A_558 = vector.shape_cast %get3A_557 : vector<1x1x1x16xf32> to vector<16xf32>
        %add3A_559 = arith.addf %add3A_519, %get3A_558 : vector<16xf32>
        %get3A_560 = arith.constant 1 : i32
        %get3A_561 = arith.constant 1 : i32
        %get3A_562 = arith.index_cast %get3A_560 : i32 to index
        %get3A_563 = arith.index_cast %get3A_561 : i32 to index
        %get3A_564 = arith.index_cast %add3A_541 : i32 to index
        %get3A_565 = arith.constant 32 : index
        %get3A_566 = tpu.vector_load %arg6[%get3A_562, %get3A_563, %get3A_564, %get3A_565] {strides = array<i32>} : memref<4x2x100x64xf32, #tpu.memory_space<vmem>>, vector<1x1x1x16xf32>,
        %get3A_567 = vector.shape_cast %get3A_566 : vector<1x1x1x16xf32> to vector<16xf32>
        %add3A_568 = arith.addf %add3A_528, %get3A_567 : vector<16xf32>
        %get3A_569 = arith.constant 1 : i32
        %get3A_570 = arith.constant 1 : i32
        %get3A_571 = arith.index_cast %get3A_569 : i32 to index
        %get3A_572 = arith.index_cast %get3A_570 : i32 to index
        %get3A_573 = arith.index_cast %add3A_541 : i32 to index
        %get3A_574 = arith.constant 48 : index
        %get3A_575 = tpu.vector_load %arg6[%get3A_571, %get3A_572, %get3A_573, %get3A_574] {strides = array<i32>} : memref<4x2x100x64xf32, #tpu.memory_space<vmem>>, vector<1x1x1x16xf32>,
        %get3A_576 = vector.shape_cast %get3A_575 : vector<1x1x1x16xf32> to vector<16xf32>
        %add3A_577 = arith.addf %add3A_537, %get3A_576 : vector<16xf32>
        %mul3A_578 = arith.constant 4 : i32
        %mul3A_579 = arith.muli %scan3A_374, %mul3A_578 : i32
        %add3A_580 = arith.constant 1 : i32
        %add3A_581 = arith.addi %mul3A_579, %add3A_580 : i32
        %get3A_582 = arith.constant 1 : i32
        %get3A_583 = arith.constant 1 : i32
        %get3A_584 = arith.index_cast %get3A_582 : i32 to index
        %get3A_585 = arith.index_cast %get3A_583 : i32 to index
        %get3A_586 = arith.index_cast %add3A_581 : i32 to index
        %get3A_587 = arith.constant 0 : index
        %get3A_588 = tpu.vector_load %arg6[%get3A_584, %get3A_585, %get3A_586, %get3A_587] {strides = array<i32>} : memref<4x2x100x64xf32, #tpu.memory_space<vmem>>, vector<1x1x1x16xf32>,
        %get3A_589 = vector.shape_cast %get3A_588 : vector<1x1x1x16xf32> to vector<16xf32>
        %add3A_590 = arith.addf %add3A_550, %get3A_589 : vector<16xf32>
        %get3A_591 = arith.constant 1 : i32
        %get3A_592 = arith.constant 1 : i32
        %get3A_593 = arith.index_cast %get3A_591 : i32 to index
        %get3A_594 = arith.index_cast %get3A_592 : i32 to index
        %get3A_595 = arith.index_cast %add3A_581 : i32 to index
        %get3A_596 = arith.constant 16 : index
        %get3A_597 = tpu.vector_load %arg6[%get3A_593, %get3A_594, %get3A_595, %get3A_596] {strides = array<i32>} : memref<4x2x100x64xf32, #tpu.memory_space<vmem>>, vector<1x1x1x16xf32>,
        %get3A_598 = vector.shape_cast %get3A_597 : vector<1x1x1x16xf32> to vector<16xf32>
        %add3A_599 = arith.addf %add3A_559, %get3A_598 : vector<16xf32>
        %get3A_600 = arith.constant 1 : i32
        %get3A_601 = arith.constant 1 : i32
        %get3A_602 = arith.index_cast %get3A_600 : i32 to index
        %get3A_603 = arith.index_cast %get3A_601 : i32 to index
        %get3A_604 = arith.index_cast %add3A_581 : i32 to index
        %get3A_605 = arith.constant 32 : index
        %get3A_606 = tpu.vector_load %arg6[%get3A_602, %get3A_603, %get3A_604, %get3A_605] {strides = array<i32>} : memref<4x2x100x64xf32, #tpu.memory_space<vmem>>, vector<1x1x1x16xf32>,
        %get3A_607 = vector.shape_cast %get3A_606 : vector<1x1x1x16xf32> to vector<16xf32>
        %add3A_608 = arith.addf %add3A_568, %get3A_607 : vector<16xf32>
        %get3A_609 = arith.constant 1 : i32
        %get3A_610 = arith.constant 1 : i32
        %get3A_611 = arith.index_cast %get3A_609 : i32 to index
        %get3A_612 = arith.index_cast %get3A_610 : i32 to index
        %get3A_613 = arith.index_cast %add3A_581 : i32 to index
        %get3A_614 = arith.constant 48 : index
        %get3A_615 = tpu.vector_load %arg6[%get3A_611, %get3A_612, %get3A_613, %get3A_614] {strides = array<i32>} : memref<4x2x100x64xf32, #tpu.memory_space<vmem>>, vector<1x1x1x16xf32>,
        %get3A_616 = vector.shape_cast %get3A_615 : vector<1x1x1x16xf32> to vector<16xf32>
        %add3A_617 = arith.addf %add3A_577, %get3A_616 : vector<16xf32>
        %mul3A_618 = arith.constant 4 : i32
        %mul3A_619 = arith.muli %scan3A_374, %mul3A_618 : i32
        %add3A_620 = arith.constant 2 : i32
        %add3A_621 = arith.addi %mul3A_619, %add3A_620 : i32
        %get3A_622 = arith.constant 1 : i32
        %get3A_623 = arith.constant 1 : i32
        %get3A_624 = arith.index_cast %get3A_622 : i32 to index
        %get3A_625 = arith.index_cast %get3A_623 : i32 to index
        %get3A_626 = arith.index_cast %add3A_621 : i32 to index
        %get3A_627 = arith.constant 0 : index
        %get3A_628 = tpu.vector_load %arg6[%get3A_624, %get3A_625, %get3A_626, %get3A_627] {strides = array<i32>} : memref<4x2x100x64xf32, #tpu.memory_space<vmem>>, vector<1x1x1x16xf32>,
        %get3A_629 = vector.shape_cast %get3A_628 : vector<1x1x1x16xf32> to vector<16xf32>
        %add3A_630 = arith.addf %add3A_590, %get3A_629 : vector<16xf32>
        %get3A_631 = arith.constant 1 : i32
        %get3A_632 = arith.constant 1 : i32
        %get3A_633 = arith.index_cast %get3A_631 : i32 to index
        %get3A_634 = arith.index_cast %get3A_632 : i32 to index
        %get3A_635 = arith.index_cast %add3A_621 : i32 to index
        %get3A_636 = arith.constant 16 : index
        %get3A_637 = tpu.vector_load %arg6[%get3A_633, %get3A_634, %get3A_635, %get3A_636] {strides = array<i32>} : memref<4x2x100x64xf32, #tpu.memory_space<vmem>>, vector<1x1x1x16xf32>,
        %get3A_638 = vector.shape_cast %get3A_637 : vector<1x1x1x16xf32> to vector<16xf32>
        %add3A_639 = arith.addf %add3A_599, %get3A_638 : vector<16xf32>
        %get3A_640 = arith.constant 1 : i32
        %get3A_641 = arith.constant 1 : i32
        %get3A_642 = arith.index_cast %get3A_640 : i32 to index
        %get3A_643 = arith.index_cast %get3A_641 : i32 to index
        %get3A_644 = arith.index_cast %add3A_621 : i32 to index
        %get3A_645 = arith.constant 32 : index
        %get3A_646 = tpu.vector_load %arg6[%get3A_642, %get3A_643, %get3A_644, %get3A_645] {strides = array<i32>} : memref<4x2x100x64xf32, #tpu.memory_space<vmem>>, vector<1x1x1x16xf32>,
        %get3A_647 = vector.shape_cast %get3A_646 : vector<1x1x1x16xf32> to vector<16xf32>
        %add3A_648 = arith.addf %add3A_608, %get3A_647 : vector<16xf32>
        %get3A_649 = arith.constant 1 : i32
        %get3A_650 = arith.constant 1 : i32
        %get3A_651 = arith.index_cast %get3A_649 : i32 to index
        %get3A_652 = arith.index_cast %get3A_650 : i32 to index
        %get3A_653 = arith.index_cast %add3A_621 : i32 to index
        %get3A_654 = arith.constant 48 : index
        %get3A_655 = tpu.vector_load %arg6[%get3A_651, %get3A_652, %get3A_653, %get3A_654] {strides = array<i32>} : memref<4x2x100x64xf32, #tpu.memory_space<vmem>>, vector<1x1x1x16xf32>,
        %get3A_656 = vector.shape_cast %get3A_655 : vector<1x1x1x16xf32> to vector<16xf32>
        %add3A_657 = arith.addf %add3A_617, %get3A_656 : vector<16xf32>
        %mul3A_658 = arith.constant 4 : i32
        %mul3A_659 = arith.muli %scan3A_374, %mul3A_658 : i32
        %add3A_660 = arith.constant 3 : i32
        %add3A_661 = arith.addi %mul3A_659, %add3A_660 : i32
        %get3A_662 = arith.constant 1 : i32
        %get3A_663 = arith.constant 1 : i32
        %get3A_664 = arith.index_cast %get3A_662 : i32 to index
        %get3A_665 = arith.index_cast %get3A_663 : i32 to index
        %get3A_666 = arith.index_cast %add3A_661 : i32 to index
        %get3A_667 = arith.constant 0 : index
        %get3A_668 = tpu.vector_load %arg6[%get3A_664, %get3A_665, %get3A_666, %get3A_667] {strides = array<i32>} : memref<4x2x100x64xf32, #tpu.memory_space<vmem>>, vector<1x1x1x16xf32>,
        %get3A_669 = vector.shape_cast %get3A_668 : vector<1x1x1x16xf32> to vector<16xf32>
        %add3A_670 = arith.addf %add3A_630, %get3A_669 : vector<16xf32>
        %get3A_671 = arith.constant 1 : i32
        %get3A_672 = arith.constant 1 : i32
        %get3A_673 = arith.index_cast %get3A_671 : i32 to index
        %get3A_674 = arith.index_cast %get3A_672 : i32 to index
        %get3A_675 = arith.index_cast %add3A_661 : i32 to index
        %get3A_676 = arith.constant 16 : index
        %get3A_677 = tpu.vector_load %arg6[%get3A_673, %get3A_674, %get3A_675, %get3A_676] {strides = array<i32>} : memref<4x2x100x64xf32, #tpu.memory_space<vmem>>, vector<1x1x1x16xf32>,
        %get3A_678 = vector.shape_cast %get3A_677 : vector<1x1x1x16xf32> to vector<16xf32>
        %add3A_679 = arith.addf %add3A_639, %get3A_678 : vector<16xf32>
        %get3A_680 = arith.constant 1 : i32
        %get3A_681 = arith.constant 1 : i32
        %get3A_682 = arith.index_cast %get3A_680 : i32 to index
        %get3A_683 = arith.index_cast %get3A_681 : i32 to index
        %get3A_684 = arith.index_cast %add3A_661 : i32 to index
        %get3A_685 = arith.constant 32 : index
        %get3A_686 = tpu.vector_load %arg6[%get3A_682, %get3A_683, %get3A_684, %get3A_685] {strides = array<i32>} : memref<4x2x100x64xf32, #tpu.memory_space<vmem>>, vector<1x1x1x16xf32>,
        %get3A_687 = vector.shape_cast %get3A_686 : vector<1x1x1x16xf32> to vector<16xf32>
        %add3A_688 = arith.addf %add3A_648, %get3A_687 : vector<16xf32>
        %get3A_689 = arith.constant 1 : i32
        %get3A_690 = arith.constant 1 : i32
        %get3A_691 = arith.index_cast %get3A_689 : i32 to index
        %get3A_692 = arith.index_cast %get3A_690 : i32 to index
        %get3A_693 = arith.index_cast %add3A_661 : i32 to index
        %get3A_694 = arith.constant 48 : index
        %get3A_695 = tpu.vector_load %arg6[%get3A_691, %get3A_692, %get3A_693, %get3A_694] {strides = array<i32>} : memref<4x2x100x64xf32, #tpu.memory_space<vmem>>, vector<1x1x1x16xf32>,
        %get3A_696 = vector.shape_cast %get3A_695 : vector<1x1x1x16xf32> to vector<16xf32>
        %add3A_697 = arith.addf %add3A_657, %get3A_696 : vector<16xf32>
        scf.yield %add3A_670, %add3A_679, %add3A_688, %add3A_697 : vector<16xf32>, vector<16xf32>, vector<16xf32>, vector<16xf32>
      }
      %scan3A_223 = arith.constant 25 : i32
      %swap3A_224 = arith.index_cast %add3A_182 : i32 to index
      %swap3A_225 = arith.constant 0 : index
      %swap3A_226 = tpu.vector_load %arg7[%swap3A_224, %swap3A_225] {strides = array<i32>} : memref<128x64xf32, #tpu.memory_space<vmem>>, vector<1x16xf32>,
      %swap3A_227 = vector.shape_cast %swap3A_226 : vector<1x16xf32> to vector<16xf32>
      %swap3A_228 = vector.shape_cast %scan3A_222#0 : vector<16xf32> to vector<1x16xf32>
      tpu.vector_store %arg7[%swap3A_224, %swap3A_225], %swap3A_228 {strides = array<i32>} : memref<128x64xf32, #tpu.memory_space<vmem>>, vector<1x16xf32>,
      %swap3A_229 = arith.index_cast %add3A_182 : i32 to index
      %swap3A_230 = arith.constant 16 : index
      %swap3A_231 = tpu.vector_load %arg7[%swap3A_229, %swap3A_230] {strides = array<i32>} : memref<128x64xf32, #tpu.memory_space<vmem>>, vector<1x16xf32>,
      %swap3A_232 = vector.shape_cast %swap3A_231 : vector<1x16xf32> to vector<16xf32>
      %swap3A_233 = vector.shape_cast %scan3A_222#1 : vector<16xf32> to vector<1x16xf32>
      tpu.vector_store %arg7[%swap3A_229, %swap3A_230], %swap3A_233 {strides = array<i32>} : memref<128x64xf32, #tpu.memory_space<vmem>>, vector<1x16xf32>,
      %swap3A_234 = arith.index_cast %add3A_182 : i32 to index
      %swap3A_235 = arith.constant 32 : index
      %swap3A_236 = tpu.vector_load %arg7[%swap3A_234, %swap3A_235] {strides = array<i32>} : memref<128x64xf32, #tpu.memory_space<vmem>>, vector<1x16xf32>,
      %swap3A_237 = vector.shape_cast %swap3A_236 : vector<1x16xf32> to vector<16xf32>
      %swap3A_238 = vector.shape_cast %scan3A_222#2 : vector<16xf32> to vector<1x16xf32>
      tpu.vector_store %arg7[%swap3A_234, %swap3A_235], %swap3A_238 {strides = array<i32>} : memref<128x64xf32, #tpu.memory_space<vmem>>, vector<1x16xf32>,
      %swap3A_239 = arith.index_cast %add3A_182 : i32 to index
      %swap3A_240 = arith.constant 48 : index
      %swap3A_241 = tpu.vector_load %arg7[%swap3A_239, %swap3A_240] {strides = array<i32>} : memref<128x64xf32, #tpu.memory_space<vmem>>, vector<1x16xf32>,
      %swap3A_242 = vector.shape_cast %swap3A_241 : vector<1x16xf32> to vector<16xf32>
      %swap3A_243 = vector.shape_cast %scan3A_222#3 : vector<16xf32> to vector<1x16xf32>
      tpu.vector_store %arg7[%swap3A_239, %swap3A_240], %swap3A_243 {strides = array<i32>} : memref<128x64xf32, #tpu.memory_space<vmem>>, vector<1x16xf32>,
      %mul3A_244 = arith.constant 4 : i32
      %mul3A_245 = arith.muli %scan3A_119, %mul3A_244 : i32
      %add3A_246 = arith.constant 2 : i32
      %add3A_247 = arith.addi %mul3A_245, %add3A_246 : i32
      %dma_wait3A_248 = arith.constant 0 : i32
      %dma_wait3A_249 = arith.constant 2 : i32
      %dma_wait3A_250 = arith.constant 0 : i32
      %dma_wait3A_251 = arith.constant 0 : i32
      %dma_wait3A_252 = arith.constant 0 : i32
      %dma_wait3A_253 = tpu.memref_slice %arg6[%dma_wait3A_249, %dma_wait3A_250, %dma_wait3A_251, %dma_wait3A_252] : memref<4x2x100x64xf32, #tpu.memory_space<vmem>> -> memref<1x1x100x64xf32, #tpu.memory_space<vmem>>
      %dma_wait3A_254 = tpu.memref_squeeze %dma_wait3A_253 : memref<1x1x100x64xf32, #tpu.memory_space<vmem>> -> memref<100x64xf32, #tpu.memory_space<vmem>>
      %dma_wait3A_255 = arith.constant 0 : i32
      %dma_wait3A_256 = tpu.memref_slice %arg5[%add3A_247, %dma_wait3A_248, %dma_wait3A_255] : memref<128x2x100xi32, #tpu.memory_space<vmem>> -> memref<1x1x100xi32, #tpu.memory_space<vmem>>
      %dma_wait3A_257 = tpu.memref_squeeze %dma_wait3A_256 : memref<1x1x100xi32, #tpu.memory_space<vmem>> -> memref<100xi32, #tpu.memory_space<vmem>>
      %dma_wait3A_258 = arith.constant 0 : i32
      %dma_wait3A_259 = arith.constant 0 : i32
      %dma_wait3A_260 = tpu.memref_slice %arg3[%dma_wait3A_258, %dma_wait3A_259] : memref<1003520x64xf32, #tpu.memory_space<hbm>> -> memref<1003520x64xf32, #tpu.memory_space<hbm>>
      tpu.wait_indirect_dma semaphore(%arg10 : memref<!tpu.dma_semaphore, #tpu.memory_space<semaphore_mem>>) src(%dma_wait3A_260 : memref<1003520x64xf32, #tpu.memory_space<hbm>>) dst(%dma_wait3A_254 : memref<100x64xf32, #tpu.memory_space<vmem>>)
      %dma_wait3A_261 = arith.constant 1 : i32
      %dma_wait3A_262 = arith.constant 2 : i32
      %dma_wait3A_263 = arith.constant 1 : i32
      %dma_wait3A_264 = arith.constant 0 : i32
      %dma_wait3A_265 = arith.constant 0 : i32
      %dma_wait3A_266 = tpu.memref_slice %arg6[%dma_wait3A_262, %dma_wait3A_263, %dma_wait3A_264, %dma_wait3A_265] : memref<4x2x100x64xf32, #tpu.memory_space<vmem>> -> memref<1x1x100x64xf32, #tpu.memory_space<vmem>>
      %dma_wait3A_267 = tpu.memref_squeeze %dma_wait3A_266 : memref<1x1x100x64xf32, #tpu.memory_space<vmem>> -> memref<100x64xf32, #tpu.memory_space<vmem>>
      %dma_wait3A_268 = arith.constant 0 : i32
      %dma_wait3A_269 = tpu.memref_slice %arg5[%add3A_247, %dma_wait3A_261, %dma_wait3A_268] : memref<128x2x100xi32, #tpu.memory_space<vmem>> -> memref<1x1x100xi32, #tpu.memory_space<vmem>>
      %dma_wait3A_270 = tpu.memref_squeeze %dma_wait3A_269 : memref<1x1x100xi32, #tpu.memory_space<vmem>> -> memref<100xi32, #tpu.memory_space<vmem>>
      %dma_wait3A_271 = arith.constant 0 : i32
      %dma_wait3A_272 = arith.constant 0 : i32
      %dma_wait3A_273 = tpu.memref_slice %arg3[%dma_wait3A_271, %dma_wait3A_272] : memref<1003520x64xf32, #tpu.memory_space<hbm>> -> memref<1003520x64xf32, #tpu.memory_space<hbm>>
      tpu.wait_indirect_dma semaphore(%arg10 : memref<!tpu.dma_semaphore, #tpu.memory_space<semaphore_mem>>) src(%dma_wait3A_273 : memref<1003520x64xf32, #tpu.memory_space<hbm>>) dst(%dma_wait3A_267 : memref<100x64xf32, #tpu.memory_space<vmem>>)
      %add3A_274 = arith.constant 4 : i32
      %add3A_275 = arith.addi %add3A_247, %add3A_274 : i32
      %lt3A_276 = arith.constant 128 : i32
      %lt3A_277 = arith.cmpi slt, %add3A_275, %lt3A_276 : i32
      %convert_element_type3A_278 = arith.extui %lt3A_277 : i1 to i32
      %cond3A_279 = arith.constant 0 : i32
      %cond3A_280 = arith.cmpi ne, %convert_element_type3A_278, %cond3A_279 : i32
      scf.if %cond3A_280 {
        %dma_start3A_374 = arith.constant 0 : i32
        %dma_start3A_375 = arith.constant 2 : i32
        %dma_start3A_376 = arith.constant 0 : i32
        %dma_start3A_377 = arith.constant 0 : i32
        %dma_start3A_378 = arith.constant 0 : i32
        %dma_start3A_379 = tpu.memref_slice %arg6[%dma_start3A_375, %dma_start3A_376, %dma_start3A_377, %dma_start3A_378] : memref<4x2x100x64xf32, #tpu.memory_space<vmem>> -> memref<1x1x100x64xf32, #tpu.memory_space<vmem>>
        %dma_start3A_380 = tpu.memref_squeeze %dma_start3A_379 : memref<1x1x100x64xf32, #tpu.memory_space<vmem>> -> memref<100x64xf32, #tpu.memory_space<vmem>>
        %dma_start3A_381 = arith.constant 0 : i32
        %dma_start3A_382 = tpu.memref_slice %arg5[%add3A_275, %dma_start3A_374, %dma_start3A_381] : memref<128x2x100xi32, #tpu.memory_space<vmem>> -> memref<1x1x100xi32, #tpu.memory_space<vmem>>
        %dma_start3A_383 = tpu.memref_squeeze %dma_start3A_382 : memref<1x1x100xi32, #tpu.memory_space<vmem>> -> memref<100xi32, #tpu.memory_space<vmem>>
        %dma_start3A_384 = arith.constant 0 : i32
        %dma_start3A_385 = arith.constant 0 : i32
        %dma_start3A_386 = tpu.memref_slice %arg3[%dma_start3A_384, %dma_start3A_385] : memref<1003520x64xf32, #tpu.memory_space<hbm>> -> memref<1003520x64xf32, #tpu.memory_space<hbm>>
        tpu.enqueue_indirect_dma source(%dma_start3A_386 : memref<1003520x64xf32, #tpu.memory_space<hbm>>) target(%dma_start3A_380 : memref<100x64xf32, #tpu.memory_space<vmem>>) offsets(%dma_start3A_383 : memref<100xi32, #tpu.memory_space<vmem>>) semaphore(%arg10 : memref<!tpu.dma_semaphore, #tpu.memory_space<semaphore_mem>>)
        %dma_start3A_387 = arith.constant 1 : i32
        %dma_start3A_388 = arith.constant 2 : i32
        %dma_start3A_389 = arith.constant 1 : i32
        %dma_start3A_390 = arith.constant 0 : i32
        %dma_start3A_391 = arith.constant 0 : i32
        %dma_start3A_392 = tpu.memref_slice %arg6[%dma_start3A_388, %dma_start3A_389, %dma_start3A_390, %dma_start3A_391] : memref<4x2x100x64xf32, #tpu.memory_space<vmem>> -> memref<1x1x100x64xf32, #tpu.memory_space<vmem>>
        %dma_start3A_393 = tpu.memref_squeeze %dma_start3A_392 : memref<1x1x100x64xf32, #tpu.memory_space<vmem>> -> memref<100x64xf32, #tpu.memory_space<vmem>>
        %dma_start3A_394 = arith.constant 0 : i32
        %dma_start3A_395 = tpu.memref_slice %arg5[%add3A_275, %dma_start3A_387, %dma_start3A_394] : memref<128x2x100xi32, #tpu.memory_space<vmem>> -> memref<1x1x100xi32, #tpu.memory_space<vmem>>
        %dma_start3A_396 = tpu.memref_squeeze %dma_start3A_395 : memref<1x1x100xi32, #tpu.memory_space<vmem>> -> memref<100xi32, #tpu.memory_space<vmem>>
        %dma_start3A_397 = arith.constant 0 : i32
        %dma_start3A_398 = arith.constant 0 : i32
        %dma_start3A_399 = tpu.memref_slice %arg3[%dma_start3A_397, %dma_start3A_398] : memref<1003520x64xf32, #tpu.memory_space<hbm>> -> memref<1003520x64xf32, #tpu.memory_space<hbm>>
        tpu.enqueue_indirect_dma source(%dma_start3A_399 : memref<1003520x64xf32, #tpu.memory_space<hbm>>) target(%dma_start3A_393 : memref<100x64xf32, #tpu.memory_space<vmem>>) offsets(%dma_start3A_396 : memref<100xi32, #tpu.memory_space<vmem>>) semaphore(%arg10 : memref<!tpu.dma_semaphore, #tpu.memory_space<semaphore_mem>>)
      } else {
      }
      %broadcast_in_dim3A_281 = arith.constant 0.000000e+00 : f32
      %broadcast_in_dim3A_282 = vector.broadcast %broadcast_in_dim3A_281 : f32 to vector<16xf32>
      %scan3A_283 = arith.constant 0 : i32
      %scan3A_284 = arith.constant 25 : i32
      %scan3A_285 = arith.addi %scan3A_283, %scan3A_284 : i32
      %scan3A_286 = arith.constant 1 : i32
      %scan3A_287:4 = scf.for %scan3A_374 = %scan3A_283 to %scan3A_285 step %scan3A_286 iter_args(%scan3A_375 = %broadcast_in_dim3A_282, %scan3A_376 = %broadcast_in_dim3A_282, %scan3A_377 = %broadcast_in_dim3A_282, %scan3A_378 = %broadcast_in_dim3A_282) -> (vector<16xf32>, vector<16xf32>, vector<16xf32>, vector<16xf32>)  : i32 {
        %mul3A_379 = arith.constant 4 : i32
        %mul3A_380 = arith.muli %scan3A_374, %mul3A_379 : i32
        %add3A_381 = arith.constant 0 : i32
        %add3A_382 = arith.addi %mul3A_380, %add3A_381 : i32
        %get3A = arith.constant 2 : i32
        %get3A_383 = arith.constant 0 : i32
        %get3A_384 = arith.index_cast %get3A : i32 to index
        %get3A_385 = arith.index_cast %get3A_383 : i32 to index
        %get3A_386 = arith.index_cast %add3A_382 : i32 to index
        %get3A_387 = arith.constant 0 : index
        %get3A_388 = tpu.vector_load %arg6[%get3A_384, %get3A_385, %get3A_386, %get3A_387] {strides = array<i32>} : memref<4x2x100x64xf32, #tpu.memory_space<vmem>>, vector<1x1x1x16xf32>,
        %get3A_389 = vector.shape_cast %get3A_388 : vector<1x1x1x16xf32> to vector<16xf32>
        %add3A_390 = arith.addf %scan3A_375, %get3A_389 : vector<16xf32>
        %get3A_391 = arith.constant 2 : i32
        %get3A_392 = arith.constant 0 : i32
        %get3A_393 = arith.index_cast %get3A_391 : i32 to index
        %get3A_394 = arith.index_cast %get3A_392 : i32 to index
        %get3A_395 = arith.index_cast %add3A_382 : i32 to index
        %get3A_396 = arith.constant 16 : index
        %get3A_397 = tpu.vector_load %arg6[%get3A_393, %get3A_394, %get3A_395, %get3A_396] {strides = array<i32>} : memref<4x2x100x64xf32, #tpu.memory_space<vmem>>, vector<1x1x1x16xf32>,
        %get3A_398 = vector.shape_cast %get3A_397 : vector<1x1x1x16xf32> to vector<16xf32>
        %add3A_399 = arith.addf %scan3A_376, %get3A_398 : vector<16xf32>
        %get3A_400 = arith.constant 2 : i32
        %get3A_401 = arith.constant 0 : i32
        %get3A_402 = arith.index_cast %get3A_400 : i32 to index
        %get3A_403 = arith.index_cast %get3A_401 : i32 to index
        %get3A_404 = arith.index_cast %add3A_382 : i32 to index
        %get3A_405 = arith.constant 32 : index
        %get3A_406 = tpu.vector_load %arg6[%get3A_402, %get3A_403, %get3A_404, %get3A_405] {strides = array<i32>} : memref<4x2x100x64xf32, #tpu.memory_space<vmem>>, vector<1x1x1x16xf32>,
        %get3A_407 = vector.shape_cast %get3A_406 : vector<1x1x1x16xf32> to vector<16xf32>
        %add3A_408 = arith.addf %scan3A_377, %get3A_407 : vector<16xf32>
        %get3A_409 = arith.constant 2 : i32
        %get3A_410 = arith.constant 0 : i32
        %get3A_411 = arith.index_cast %get3A_409 : i32 to index
        %get3A_412 = arith.index_cast %get3A_410 : i32 to index
        %get3A_413 = arith.index_cast %add3A_382 : i32 to index
        %get3A_414 = arith.constant 48 : index
        %get3A_415 = tpu.vector_load %arg6[%get3A_411, %get3A_412, %get3A_413, %get3A_414] {strides = array<i32>} : memref<4x2x100x64xf32, #tpu.memory_space<vmem>>, vector<1x1x1x16xf32>,
        %get3A_416 = vector.shape_cast %get3A_415 : vector<1x1x1x16xf32> to vector<16xf32>
        %add3A_417 = arith.addf %scan3A_378, %get3A_416 : vector<16xf32>
        %mul3A_418 = arith.constant 4 : i32
        %mul3A_419 = arith.muli %scan3A_374, %mul3A_418 : i32
        %add3A_420 = arith.constant 1 : i32
        %add3A_421 = arith.addi %mul3A_419, %add3A_420 : i32
        %get3A_422 = arith.constant 2 : i32
        %get3A_423 = arith.constant 0 : i32
        %get3A_424 = arith.index_cast %get3A_422 : i32 to index
        %get3A_425 = arith.index_cast %get3A_423 : i32 to index
        %get3A_426 = arith.index_cast %add3A_421 : i32 to index
        %get3A_427 = arith.constant 0 : index
        %get3A_428 = tpu.vector_load %arg6[%get3A_424, %get3A_425, %get3A_426, %get3A_427] {strides = array<i32>} : memref<4x2x100x64xf32, #tpu.memory_space<vmem>>, vector<1x1x1x16xf32>,
        %get3A_429 = vector.shape_cast %get3A_428 : vector<1x1x1x16xf32> to vector<16xf32>
        %add3A_430 = arith.addf %add3A_390, %get3A_429 : vector<16xf32>
        %get3A_431 = arith.constant 2 : i32
        %get3A_432 = arith.constant 0 : i32
        %get3A_433 = arith.index_cast %get3A_431 : i32 to index
        %get3A_434 = arith.index_cast %get3A_432 : i32 to index
        %get3A_435 = arith.index_cast %add3A_421 : i32 to index
        %get3A_436 = arith.constant 16 : index
        %get3A_437 = tpu.vector_load %arg6[%get3A_433, %get3A_434, %get3A_435, %get3A_436] {strides = array<i32>} : memref<4x2x100x64xf32, #tpu.memory_space<vmem>>, vector<1x1x1x16xf32>,
        %get3A_438 = vector.shape_cast %get3A_437 : vector<1x1x1x16xf32> to vector<16xf32>
        %add3A_439 = arith.addf %add3A_399, %get3A_438 : vector<16xf32>
        %get3A_440 = arith.constant 2 : i32
        %get3A_441 = arith.constant 0 : i32
        %get3A_442 = arith.index_cast %get3A_440 : i32 to index
        %get3A_443 = arith.index_cast %get3A_441 : i32 to index
        %get3A_444 = arith.index_cast %add3A_421 : i32 to index
        %get3A_445 = arith.constant 32 : index
        %get3A_446 = tpu.vector_load %arg6[%get3A_442, %get3A_443, %get3A_444, %get3A_445] {strides = array<i32>} : memref<4x2x100x64xf32, #tpu.memory_space<vmem>>, vector<1x1x1x16xf32>,
        %get3A_447 = vector.shape_cast %get3A_446 : vector<1x1x1x16xf32> to vector<16xf32>
        %add3A_448 = arith.addf %add3A_408, %get3A_447 : vector<16xf32>
        %get3A_449 = arith.constant 2 : i32
        %get3A_450 = arith.constant 0 : i32
        %get3A_451 = arith.index_cast %get3A_449 : i32 to index
        %get3A_452 = arith.index_cast %get3A_450 : i32 to index
        %get3A_453 = arith.index_cast %add3A_421 : i32 to index
        %get3A_454 = arith.constant 48 : index
        %get3A_455 = tpu.vector_load %arg6[%get3A_451, %get3A_452, %get3A_453, %get3A_454] {strides = array<i32>} : memref<4x2x100x64xf32, #tpu.memory_space<vmem>>, vector<1x1x1x16xf32>,
        %get3A_456 = vector.shape_cast %get3A_455 : vector<1x1x1x16xf32> to vector<16xf32>
        %add3A_457 = arith.addf %add3A_417, %get3A_456 : vector<16xf32>
        %mul3A_458 = arith.constant 4 : i32
        %mul3A_459 = arith.muli %scan3A_374, %mul3A_458 : i32
        %add3A_460 = arith.constant 2 : i32
        %add3A_461 = arith.addi %mul3A_459, %add3A_460 : i32
        %get3A_462 = arith.constant 2 : i32
        %get3A_463 = arith.constant 0 : i32
        %get3A_464 = arith.index_cast %get3A_462 : i32 to index
        %get3A_465 = arith.index_cast %get3A_463 : i32 to index
        %get3A_466 = arith.index_cast %add3A_461 : i32 to index
        %get3A_467 = arith.constant 0 : index
        %get3A_468 = tpu.vector_load %arg6[%get3A_464, %get3A_465, %get3A_466, %get3A_467] {strides = array<i32>} : memref<4x2x100x64xf32, #tpu.memory_space<vmem>>, vector<1x1x1x16xf32>,
        %get3A_469 = vector.shape_cast %get3A_468 : vector<1x1x1x16xf32> to vector<16xf32>
        %add3A_470 = arith.addf %add3A_430, %get3A_469 : vector<16xf32>
        %get3A_471 = arith.constant 2 : i32
        %get3A_472 = arith.constant 0 : i32
        %get3A_473 = arith.index_cast %get3A_471 : i32 to index
        %get3A_474 = arith.index_cast %get3A_472 : i32 to index
        %get3A_475 = arith.index_cast %add3A_461 : i32 to index
        %get3A_476 = arith.constant 16 : index
        %get3A_477 = tpu.vector_load %arg6[%get3A_473, %get3A_474, %get3A_475, %get3A_476] {strides = array<i32>} : memref<4x2x100x64xf32, #tpu.memory_space<vmem>>, vector<1x1x1x16xf32>,
        %get3A_478 = vector.shape_cast %get3A_477 : vector<1x1x1x16xf32> to vector<16xf32>
        %add3A_479 = arith.addf %add3A_439, %get3A_478 : vector<16xf32>
        %get3A_480 = arith.constant 2 : i32
        %get3A_481 = arith.constant 0 : i32
        %get3A_482 = arith.index_cast %get3A_480 : i32 to index
        %get3A_483 = arith.index_cast %get3A_481 : i32 to index
        %get3A_484 = arith.index_cast %add3A_461 : i32 to index
        %get3A_485 = arith.constant 32 : index
        %get3A_486 = tpu.vector_load %arg6[%get3A_482, %get3A_483, %get3A_484, %get3A_485] {strides = array<i32>} : memref<4x2x100x64xf32, #tpu.memory_space<vmem>>, vector<1x1x1x16xf32>,
        %get3A_487 = vector.shape_cast %get3A_486 : vector<1x1x1x16xf32> to vector<16xf32>
        %add3A_488 = arith.addf %add3A_448, %get3A_487 : vector<16xf32>
        %get3A_489 = arith.constant 2 : i32
        %get3A_490 = arith.constant 0 : i32
        %get3A_491 = arith.index_cast %get3A_489 : i32 to index
        %get3A_492 = arith.index_cast %get3A_490 : i32 to index
        %get3A_493 = arith.index_cast %add3A_461 : i32 to index
        %get3A_494 = arith.constant 48 : index
        %get3A_495 = tpu.vector_load %arg6[%get3A_491, %get3A_492, %get3A_493, %get3A_494] {strides = array<i32>} : memref<4x2x100x64xf32, #tpu.memory_space<vmem>>, vector<1x1x1x16xf32>,
        %get3A_496 = vector.shape_cast %get3A_495 : vector<1x1x1x16xf32> to vector<16xf32>
        %add3A_497 = arith.addf %add3A_457, %get3A_496 : vector<16xf32>
        %mul3A_498 = arith.constant 4 : i32
        %mul3A_499 = arith.muli %scan3A_374, %mul3A_498 : i32
        %add3A_500 = arith.constant 3 : i32
        %add3A_501 = arith.addi %mul3A_499, %add3A_500 : i32
        %get3A_502 = arith.constant 2 : i32
        %get3A_503 = arith.constant 0 : i32
        %get3A_504 = arith.index_cast %get3A_502 : i32 to index
        %get3A_505 = arith.index_cast %get3A_503 : i32 to index
        %get3A_506 = arith.index_cast %add3A_501 : i32 to index
        %get3A_507 = arith.constant 0 : index
        %get3A_508 = tpu.vector_load %arg6[%get3A_504, %get3A_505, %get3A_506, %get3A_507] {strides = array<i32>} : memref<4x2x100x64xf32, #tpu.memory_space<vmem>>, vector<1x1x1x16xf32>,
        %get3A_509 = vector.shape_cast %get3A_508 : vector<1x1x1x16xf32> to vector<16xf32>
        %add3A_510 = arith.addf %add3A_470, %get3A_509 : vector<16xf32>
        %get3A_511 = arith.constant 2 : i32
        %get3A_512 = arith.constant 0 : i32
        %get3A_513 = arith.index_cast %get3A_511 : i32 to index
        %get3A_514 = arith.index_cast %get3A_512 : i32 to index
        %get3A_515 = arith.index_cast %add3A_501 : i32 to index
        %get3A_516 = arith.constant 16 : index
        %get3A_517 = tpu.vector_load %arg6[%get3A_513, %get3A_514, %get3A_515, %get3A_516] {strides = array<i32>} : memref<4x2x100x64xf32, #tpu.memory_space<vmem>>, vector<1x1x1x16xf32>,
        %get3A_518 = vector.shape_cast %get3A_517 : vector<1x1x1x16xf32> to vector<16xf32>
        %add3A_519 = arith.addf %add3A_479, %get3A_518 : vector<16xf32>
        %get3A_520 = arith.constant 2 : i32
        %get3A_521 = arith.constant 0 : i32
        %get3A_522 = arith.index_cast %get3A_520 : i32 to index
        %get3A_523 = arith.index_cast %get3A_521 : i32 to index
        %get3A_524 = arith.index_cast %add3A_501 : i32 to index
        %get3A_525 = arith.constant 32 : index
        %get3A_526 = tpu.vector_load %arg6[%get3A_522, %get3A_523, %get3A_524, %get3A_525] {strides = array<i32>} : memref<4x2x100x64xf32, #tpu.memory_space<vmem>>, vector<1x1x1x16xf32>,
        %get3A_527 = vector.shape_cast %get3A_526 : vector<1x1x1x16xf32> to vector<16xf32>
        %add3A_528 = arith.addf %add3A_488, %get3A_527 : vector<16xf32>
        %get3A_529 = arith.constant 2 : i32
        %get3A_530 = arith.constant 0 : i32
        %get3A_531 = arith.index_cast %get3A_529 : i32 to index
        %get3A_532 = arith.index_cast %get3A_530 : i32 to index
        %get3A_533 = arith.index_cast %add3A_501 : i32 to index
        %get3A_534 = arith.constant 48 : index
        %get3A_535 = tpu.vector_load %arg6[%get3A_531, %get3A_532, %get3A_533, %get3A_534] {strides = array<i32>} : memref<4x2x100x64xf32, #tpu.memory_space<vmem>>, vector<1x1x1x16xf32>,
        %get3A_536 = vector.shape_cast %get3A_535 : vector<1x1x1x16xf32> to vector<16xf32>
        %add3A_537 = arith.addf %add3A_497, %get3A_536 : vector<16xf32>
        %mul3A_538 = arith.constant 4 : i32
        %mul3A_539 = arith.muli %scan3A_374, %mul3A_538 : i32
        %add3A_540 = arith.constant 0 : i32
        %add3A_541 = arith.addi %mul3A_539, %add3A_540 : i32
        %get3A_542 = arith.constant 2 : i32
        %get3A_543 = arith.constant 1 : i32
        %get3A_544 = arith.index_cast %get3A_542 : i32 to index
        %get3A_545 = arith.index_cast %get3A_543 : i32 to index
        %get3A_546 = arith.index_cast %add3A_541 : i32 to index
        %get3A_547 = arith.constant 0 : index
        %get3A_548 = tpu.vector_load %arg6[%get3A_544, %get3A_545, %get3A_546, %get3A_547] {strides = array<i32>} : memref<4x2x100x64xf32, #tpu.memory_space<vmem>>, vector<1x1x1x16xf32>,
        %get3A_549 = vector.shape_cast %get3A_548 : vector<1x1x1x16xf32> to vector<16xf32>
        %add3A_550 = arith.addf %add3A_510, %get3A_549 : vector<16xf32>
        %get3A_551 = arith.constant 2 : i32
        %get3A_552 = arith.constant 1 : i32
        %get3A_553 = arith.index_cast %get3A_551 : i32 to index
        %get3A_554 = arith.index_cast %get3A_552 : i32 to index
        %get3A_555 = arith.index_cast %add3A_541 : i32 to index
        %get3A_556 = arith.constant 16 : index
        %get3A_557 = tpu.vector_load %arg6[%get3A_553, %get3A_554, %get3A_555, %get3A_556] {strides = array<i32>} : memref<4x2x100x64xf32, #tpu.memory_space<vmem>>, vector<1x1x1x16xf32>,
        %get3A_558 = vector.shape_cast %get3A_557 : vector<1x1x1x16xf32> to vector<16xf32>
        %add3A_559 = arith.addf %add3A_519, %get3A_558 : vector<16xf32>
        %get3A_560 = arith.constant 2 : i32
        %get3A_561 = arith.constant 1 : i32
        %get3A_562 = arith.index_cast %get3A_560 : i32 to index
        %get3A_563 = arith.index_cast %get3A_561 : i32 to index
        %get3A_564 = arith.index_cast %add3A_541 : i32 to index
        %get3A_565 = arith.constant 32 : index
        %get3A_566 = tpu.vector_load %arg6[%get3A_562, %get3A_563, %get3A_564, %get3A_565] {strides = array<i32>} : memref<4x2x100x64xf32, #tpu.memory_space<vmem>>, vector<1x1x1x16xf32>,
        %get3A_567 = vector.shape_cast %get3A_566 : vector<1x1x1x16xf32> to vector<16xf32>
        %add3A_568 = arith.addf %add3A_528, %get3A_567 : vector<16xf32>
        %get3A_569 = arith.constant 2 : i32
        %get3A_570 = arith.constant 1 : i32
        %get3A_571 = arith.index_cast %get3A_569 : i32 to index
        %get3A_572 = arith.index_cast %get3A_570 : i32 to index
        %get3A_573 = arith.index_cast %add3A_541 : i32 to index
        %get3A_574 = arith.constant 48 : index
        %get3A_575 = tpu.vector_load %arg6[%get3A_571, %get3A_572, %get3A_573, %get3A_574] {strides = array<i32>} : memref<4x2x100x64xf32, #tpu.memory_space<vmem>>, vector<1x1x1x16xf32>,
        %get3A_576 = vector.shape_cast %get3A_575 : vector<1x1x1x16xf32> to vector<16xf32>
        %add3A_577 = arith.addf %add3A_537, %get3A_576 : vector<16xf32>
        %mul3A_578 = arith.constant 4 : i32
        %mul3A_579 = arith.muli %scan3A_374, %mul3A_578 : i32
        %add3A_580 = arith.constant 1 : i32
        %add3A_581 = arith.addi %mul3A_579, %add3A_580 : i32
        %get3A_582 = arith.constant 2 : i32
        %get3A_583 = arith.constant 1 : i32
        %get3A_584 = arith.index_cast %get3A_582 : i32 to index
        %get3A_585 = arith.index_cast %get3A_583 : i32 to index
        %get3A_586 = arith.index_cast %add3A_581 : i32 to index
        %get3A_587 = arith.constant 0 : index
        %get3A_588 = tpu.vector_load %arg6[%get3A_584, %get3A_585, %get3A_586, %get3A_587] {strides = array<i32>} : memref<4x2x100x64xf32, #tpu.memory_space<vmem>>, vector<1x1x1x16xf32>,
        %get3A_589 = vector.shape_cast %get3A_588 : vector<1x1x1x16xf32> to vector<16xf32>
        %add3A_590 = arith.addf %add3A_550, %get3A_589 : vector<16xf32>
        %get3A_591 = arith.constant 2 : i32
        %get3A_592 = arith.constant 1 : i32
        %get3A_593 = arith.index_cast %get3A_591 : i32 to index
        %get3A_594 = arith.index_cast %get3A_592 : i32 to index
        %get3A_595 = arith.index_cast %add3A_581 : i32 to index
        %get3A_596 = arith.constant 16 : index
        %get3A_597 = tpu.vector_load %arg6[%get3A_593, %get3A_594, %get3A_595, %get3A_596] {strides = array<i32>} : memref<4x2x100x64xf32, #tpu.memory_space<vmem>>, vector<1x1x1x16xf32>,
        %get3A_598 = vector.shape_cast %get3A_597 : vector<1x1x1x16xf32> to vector<16xf32>
        %add3A_599 = arith.addf %add3A_559, %get3A_598 : vector<16xf32>
        %get3A_600 = arith.constant 2 : i32
        %get3A_601 = arith.constant 1 : i32
        %get3A_602 = arith.index_cast %get3A_600 : i32 to index
        %get3A_603 = arith.index_cast %get3A_601 : i32 to index
        %get3A_604 = arith.index_cast %add3A_581 : i32 to index
        %get3A_605 = arith.constant 32 : index
        %get3A_606 = tpu.vector_load %arg6[%get3A_602, %get3A_603, %get3A_604, %get3A_605] {strides = array<i32>} : memref<4x2x100x64xf32, #tpu.memory_space<vmem>>, vector<1x1x1x16xf32>,
        %get3A_607 = vector.shape_cast %get3A_606 : vector<1x1x1x16xf32> to vector<16xf32>
        %add3A_608 = arith.addf %add3A_568, %get3A_607 : vector<16xf32>
        %get3A_609 = arith.constant 2 : i32
        %get3A_610 = arith.constant 1 : i32
        %get3A_611 = arith.index_cast %get3A_609 : i32 to index
        %get3A_612 = arith.index_cast %get3A_610 : i32 to index
        %get3A_613 = arith.index_cast %add3A_581 : i32 to index
        %get3A_614 = arith.constant 48 : index
        %get3A_615 = tpu.vector_load %arg6[%get3A_611, %get3A_612, %get3A_613, %get3A_614] {strides = array<i32>} : memref<4x2x100x64xf32, #tpu.memory_space<vmem>>, vector<1x1x1x16xf32>,
        %get3A_616 = vector.shape_cast %get3A_615 : vector<1x1x1x16xf32> to vector<16xf32>
        %add3A_617 = arith.addf %add3A_577, %get3A_616 : vector<16xf32>
        %mul3A_618 = arith.constant 4 : i32
        %mul3A_619 = arith.muli %scan3A_374, %mul3A_618 : i32
        %add3A_620 = arith.constant 2 : i32
        %add3A_621 = arith.addi %mul3A_619, %add3A_620 : i32
        %get3A_622 = arith.constant 2 : i32
        %get3A_623 = arith.constant 1 : i32
        %get3A_624 = arith.index_cast %get3A_622 : i32 to index
        %get3A_625 = arith.index_cast %get3A_623 : i32 to index
        %get3A_626 = arith.index_cast %add3A_621 : i32 to index
        %get3A_627 = arith.constant 0 : index
        %get3A_628 = tpu.vector_load %arg6[%get3A_624, %get3A_625, %get3A_626, %get3A_627] {strides = array<i32>} : memref<4x2x100x64xf32, #tpu.memory_space<vmem>>, vector<1x1x1x16xf32>,
        %get3A_629 = vector.shape_cast %get3A_628 : vector<1x1x1x16xf32> to vector<16xf32>
        %add3A_630 = arith.addf %add3A_590, %get3A_629 : vector<16xf32>
        %get3A_631 = arith.constant 2 : i32
        %get3A_632 = arith.constant 1 : i32
        %get3A_633 = arith.index_cast %get3A_631 : i32 to index
        %get3A_634 = arith.index_cast %get3A_632 : i32 to index
        %get3A_635 = arith.index_cast %add3A_621 : i32 to index
        %get3A_636 = arith.constant 16 : index
        %get3A_637 = tpu.vector_load %arg6[%get3A_633, %get3A_634, %get3A_635, %get3A_636] {strides = array<i32>} : memref<4x2x100x64xf32, #tpu.memory_space<vmem>>, vector<1x1x1x16xf32>,
        %get3A_638 = vector.shape_cast %get3A_637 : vector<1x1x1x16xf32> to vector<16xf32>
        %add3A_639 = arith.addf %add3A_599, %get3A_638 : vector<16xf32>
        %get3A_640 = arith.constant 2 : i32
        %get3A_641 = arith.constant 1 : i32
        %get3A_642 = arith.index_cast %get3A_640 : i32 to index
        %get3A_643 = arith.index_cast %get3A_641 : i32 to index
        %get3A_644 = arith.index_cast %add3A_621 : i32 to index
        %get3A_645 = arith.constant 32 : index
        %get3A_646 = tpu.vector_load %arg6[%get3A_642, %get3A_643, %get3A_644, %get3A_645] {strides = array<i32>} : memref<4x2x100x64xf32, #tpu.memory_space<vmem>>, vector<1x1x1x16xf32>,
        %get3A_647 = vector.shape_cast %get3A_646 : vector<1x1x1x16xf32> to vector<16xf32>
        %add3A_648 = arith.addf %add3A_608, %get3A_647 : vector<16xf32>
        %get3A_649 = arith.constant 2 : i32
        %get3A_650 = arith.constant 1 : i32
        %get3A_651 = arith.index_cast %get3A_649 : i32 to index
        %get3A_652 = arith.index_cast %get3A_650 : i32 to index
        %get3A_653 = arith.index_cast %add3A_621 : i32 to index
        %get3A_654 = arith.constant 48 : index
        %get3A_655 = tpu.vector_load %arg6[%get3A_651, %get3A_652, %get3A_653, %get3A_654] {strides = array<i32>} : memref<4x2x100x64xf32, #tpu.memory_space<vmem>>, vector<1x1x1x16xf32>,
        %get3A_656 = vector.shape_cast %get3A_655 : vector<1x1x1x16xf32> to vector<16xf32>
        %add3A_657 = arith.addf %add3A_617, %get3A_656 : vector<16xf32>
        %mul3A_658 = arith.constant 4 : i32
        %mul3A_659 = arith.muli %scan3A_374, %mul3A_658 : i32
        %add3A_660 = arith.constant 3 : i32
        %add3A_661 = arith.addi %mul3A_659, %add3A_660 : i32
        %get3A_662 = arith.constant 2 : i32
        %get3A_663 = arith.constant 1 : i32
        %get3A_664 = arith.index_cast %get3A_662 : i32 to index
        %get3A_665 = arith.index_cast %get3A_663 : i32 to index
        %get3A_666 = arith.index_cast %add3A_661 : i32 to index
        %get3A_667 = arith.constant 0 : index
        %get3A_668 = tpu.vector_load %arg6[%get3A_664, %get3A_665, %get3A_666, %get3A_667] {strides = array<i32>} : memref<4x2x100x64xf32, #tpu.memory_space<vmem>>, vector<1x1x1x16xf32>,
        %get3A_669 = vector.shape_cast %get3A_668 : vector<1x1x1x16xf32> to vector<16xf32>
        %add3A_670 = arith.addf %add3A_630, %get3A_669 : vector<16xf32>
        %get3A_671 = arith.constant 2 : i32
        %get3A_672 = arith.constant 1 : i32
        %get3A_673 = arith.index_cast %get3A_671 : i32 to index
        %get3A_674 = arith.index_cast %get3A_672 : i32 to index
        %get3A_675 = arith.index_cast %add3A_661 : i32 to index
        %get3A_676 = arith.constant 16 : index
        %get3A_677 = tpu.vector_load %arg6[%get3A_673, %get3A_674, %get3A_675, %get3A_676] {strides = array<i32>} : memref<4x2x100x64xf32, #tpu.memory_space<vmem>>, vector<1x1x1x16xf32>,
        %get3A_678 = vector.shape_cast %get3A_677 : vector<1x1x1x16xf32> to vector<16xf32>
        %add3A_679 = arith.addf %add3A_639, %get3A_678 : vector<16xf32>
        %get3A_680 = arith.constant 2 : i32
        %get3A_681 = arith.constant 1 : i32
        %get3A_682 = arith.index_cast %get3A_680 : i32 to index
        %get3A_683 = arith.index_cast %get3A_681 : i32 to index
        %get3A_684 = arith.index_cast %add3A_661 : i32 to index
        %get3A_685 = arith.constant 32 : index
        %get3A_686 = tpu.vector_load %arg6[%get3A_682, %get3A_683, %get3A_684, %get3A_685] {strides = array<i32>} : memref<4x2x100x64xf32, #tpu.memory_space<vmem>>, vector<1x1x1x16xf32>,
        %get3A_687 = vector.shape_cast %get3A_686 : vector<1x1x1x16xf32> to vector<16xf32>
        %add3A_688 = arith.addf %add3A_648, %get3A_687 : vector<16xf32>
        %get3A_689 = arith.constant 2 : i32
        %get3A_690 = arith.constant 1 : i32
        %get3A_691 = arith.index_cast %get3A_689 : i32 to index
        %get3A_692 = arith.index_cast %get3A_690 : i32 to index
        %get3A_693 = arith.index_cast %add3A_661 : i32 to index
        %get3A_694 = arith.constant 48 : index
        %get3A_695 = tpu.vector_load %arg6[%get3A_691, %get3A_692, %get3A_693, %get3A_694] {strides = array<i32>} : memref<4x2x100x64xf32, #tpu.memory_space<vmem>>, vector<1x1x1x16xf32>,
        %get3A_696 = vector.shape_cast %get3A_695 : vector<1x1x1x16xf32> to vector<16xf32>
        %add3A_697 = arith.addf %add3A_657, %get3A_696 : vector<16xf32>
        scf.yield %add3A_670, %add3A_679, %add3A_688, %add3A_697 : vector<16xf32>, vector<16xf32>, vector<16xf32>, vector<16xf32>
      }
      %scan3A_288 = arith.constant 25 : i32
      %swap3A_289 = arith.index_cast %add3A_247 : i32 to index
      %swap3A_290 = arith.constant 0 : index
      %swap3A_291 = tpu.vector_load %arg7[%swap3A_289, %swap3A_290] {strides = array<i32>} : memref<128x64xf32, #tpu.memory_space<vmem>>, vector<1x16xf32>,
      %swap3A_292 = vector.shape_cast %swap3A_291 : vector<1x16xf32> to vector<16xf32>
      %swap3A_293 = vector.shape_cast %scan3A_287#0 : vector<16xf32> to vector<1x16xf32>
      tpu.vector_store %arg7[%swap3A_289, %swap3A_290], %swap3A_293 {strides = array<i32>} : memref<128x64xf32, #tpu.memory_space<vmem>>, vector<1x16xf32>,
      %swap3A_294 = arith.index_cast %add3A_247 : i32 to index
      %swap3A_295 = arith.constant 16 : index
      %swap3A_296 = tpu.vector_load %arg7[%swap3A_294, %swap3A_295] {strides = array<i32>} : memref<128x64xf32, #tpu.memory_space<vmem>>, vector<1x16xf32>,
      %swap3A_297 = vector.shape_cast %swap3A_296 : vector<1x16xf32> to vector<16xf32>
      %swap3A_298 = vector.shape_cast %scan3A_287#1 : vector<16xf32> to vector<1x16xf32>
      tpu.vector_store %arg7[%swap3A_294, %swap3A_295], %swap3A_298 {strides = array<i32>} : memref<128x64xf32, #tpu.memory_space<vmem>>, vector<1x16xf32>,
      %swap3A_299 = arith.index_cast %add3A_247 : i32 to index
      %swap3A_300 = arith.constant 32 : index
      %swap3A_301 = tpu.vector_load %arg7[%swap3A_299, %swap3A_300] {strides = array<i32>} : memref<128x64xf32, #tpu.memory_space<vmem>>, vector<1x16xf32>,
      %swap3A_302 = vector.shape_cast %swap3A_301 : vector<1x16xf32> to vector<16xf32>
      %swap3A_303 = vector.shape_cast %scan3A_287#2 : vector<16xf32> to vector<1x16xf32>
      tpu.vector_store %arg7[%swap3A_299, %swap3A_300], %swap3A_303 {strides = array<i32>} : memref<128x64xf32, #tpu.memory_space<vmem>>, vector<1x16xf32>,
      %swap3A_304 = arith.index_cast %add3A_247 : i32 to index
      %swap3A_305 = arith.constant 48 : index
      %swap3A_306 = tpu.vector_load %arg7[%swap3A_304, %swap3A_305] {strides = array<i32>} : memref<128x64xf32, #tpu.memory_space<vmem>>, vector<1x16xf32>,
      %swap3A_307 = vector.shape_cast %swap3A_306 : vector<1x16xf32> to vector<16xf32>
      %swap3A_308 = vector.shape_cast %scan3A_287#3 : vector<16xf32> to vector<1x16xf32>
      tpu.vector_store %arg7[%swap3A_304, %swap3A_305], %swap3A_308 {strides = array<i32>} : memref<128x64xf32, #tpu.memory_space<vmem>>, vector<1x16xf32>,
      %mul3A_309 = arith.constant 4 : i32
      %mul3A_310 = arith.muli %scan3A_119, %mul3A_309 : i32
      %add3A_311 = arith.constant 3 : i32
      %add3A_312 = arith.addi %mul3A_310, %add3A_311 : i32
      %dma_wait3A_313 = arith.constant 0 : i32
      %dma_wait3A_314 = arith.constant 3 : i32
      %dma_wait3A_315 = arith.constant 0 : i32
      %dma_wait3A_316 = arith.constant 0 : i32
      %dma_wait3A_317 = arith.constant 0 : i32
      %dma_wait3A_318 = tpu.memref_slice %arg6[%dma_wait3A_314, %dma_wait3A_315, %dma_wait3A_316, %dma_wait3A_317] : memref<4x2x100x64xf32, #tpu.memory_space<vmem>> -> memref<1x1x100x64xf32, #tpu.memory_space<vmem>>
      %dma_wait3A_319 = tpu.memref_squeeze %dma_wait3A_318 : memref<1x1x100x64xf32, #tpu.memory_space<vmem>> -> memref<100x64xf32, #tpu.memory_space<vmem>>
      %dma_wait3A_320 = arith.constant 0 : i32
      %dma_wait3A_321 = tpu.memref_slice %arg5[%add3A_312, %dma_wait3A_313, %dma_wait3A_320] : memref<128x2x100xi32, #tpu.memory_space<vmem>> -> memref<1x1x100xi32, #tpu.memory_space<vmem>>
      %dma_wait3A_322 = tpu.memref_squeeze %dma_wait3A_321 : memref<1x1x100xi32, #tpu.memory_space<vmem>> -> memref<100xi32, #tpu.memory_space<vmem>>
      %dma_wait3A_323 = arith.constant 0 : i32
      %dma_wait3A_324 = arith.constant 0 : i32
      %dma_wait3A_325 = tpu.memref_slice %arg3[%dma_wait3A_323, %dma_wait3A_324] : memref<1003520x64xf32, #tpu.memory_space<hbm>> -> memref<1003520x64xf32, #tpu.memory_space<hbm>>
      tpu.wait_indirect_dma semaphore(%arg11 : memref<!tpu.dma_semaphore, #tpu.memory_space<semaphore_mem>>) src(%dma_wait3A_325 : memref<1003520x64xf32, #tpu.memory_space<hbm>>) dst(%dma_wait3A_319 : memref<100x64xf32, #tpu.memory_space<vmem>>)
      %dma_wait3A_326 = arith.constant 1 : i32
      %dma_wait3A_327 = arith.constant 3 : i32
      %dma_wait3A_328 = arith.constant 1 : i32
      %dma_wait3A_329 = arith.constant 0 : i32
      %dma_wait3A_330 = arith.constant 0 : i32
      %dma_wait3A_331 = tpu.memref_slice %arg6[%dma_wait3A_327, %dma_wait3A_328, %dma_wait3A_329, %dma_wait3A_330] : memref<4x2x100x64xf32, #tpu.memory_space<vmem>> -> memref<1x1x100x64xf32, #tpu.memory_space<vmem>>
      %dma_wait3A_332 = tpu.memref_squeeze %dma_wait3A_331 : memref<1x1x100x64xf32, #tpu.memory_space<vmem>> -> memref<100x64xf32, #tpu.memory_space<vmem>>
      %dma_wait3A_333 = arith.constant 0 : i32
      %dma_wait3A_334 = tpu.memref_slice %arg5[%add3A_312, %dma_wait3A_326, %dma_wait3A_333] : memref<128x2x100xi32, #tpu.memory_space<vmem>> -> memref<1x1x100xi32, #tpu.memory_space<vmem>>
      %dma_wait3A_335 = tpu.memref_squeeze %dma_wait3A_334 : memref<1x1x100xi32, #tpu.memory_space<vmem>> -> memref<100xi32, #tpu.memory_space<vmem>>
      %dma_wait3A_336 = arith.constant 0 : i32
      %dma_wait3A_337 = arith.constant 0 : i32
      %dma_wait3A_338 = tpu.memref_slice %arg3[%dma_wait3A_336, %dma_wait3A_337] : memref<1003520x64xf32, #tpu.memory_space<hbm>> -> memref<1003520x64xf32, #tpu.memory_space<hbm>>
      tpu.wait_indirect_dma semaphore(%arg11 : memref<!tpu.dma_semaphore, #tpu.memory_space<semaphore_mem>>) src(%dma_wait3A_338 : memref<1003520x64xf32, #tpu.memory_space<hbm>>) dst(%dma_wait3A_332 : memref<100x64xf32, #tpu.memory_space<vmem>>)
      %add3A_339 = arith.constant 4 : i32
      %add3A_340 = arith.addi %add3A_312, %add3A_339 : i32
      %lt3A_341 = arith.constant 128 : i32
      %lt3A_342 = arith.cmpi slt, %add3A_340, %lt3A_341 : i32
      %convert_element_type3A_343 = arith.extui %lt3A_342 : i1 to i32
      %cond3A_344 = arith.constant 0 : i32
      %cond3A_345 = arith.cmpi ne, %convert_element_type3A_343, %cond3A_344 : i32
      scf.if %cond3A_345 {
        %dma_start3A_374 = arith.constant 0 : i32
        %dma_start3A_375 = arith.constant 3 : i32
        %dma_start3A_376 = arith.constant 0 : i32
        %dma_start3A_377 = arith.constant 0 : i32
        %dma_start3A_378 = arith.constant 0 : i32
        %dma_start3A_379 = tpu.memref_slice %arg6[%dma_start3A_375, %dma_start3A_376, %dma_start3A_377, %dma_start3A_378] : memref<4x2x100x64xf32, #tpu.memory_space<vmem>> -> memref<1x1x100x64xf32, #tpu.memory_space<vmem>>
        %dma_start3A_380 = tpu.memref_squeeze %dma_start3A_379 : memref<1x1x100x64xf32, #tpu.memory_space<vmem>> -> memref<100x64xf32, #tpu.memory_space<vmem>>
        %dma_start3A_381 = arith.constant 0 : i32
        %dma_start3A_382 = tpu.memref_slice %arg5[%add3A_340, %dma_start3A_374, %dma_start3A_381] : memref<128x2x100xi32, #tpu.memory_space<vmem>> -> memref<1x1x100xi32, #tpu.memory_space<vmem>>
        %dma_start3A_383 = tpu.memref_squeeze %dma_start3A_382 : memref<1x1x100xi32, #tpu.memory_space<vmem>> -> memref<100xi32, #tpu.memory_space<vmem>>
        %dma_start3A_384 = arith.constant 0 : i32
        %dma_start3A_385 = arith.constant 0 : i32
        %dma_start3A_386 = tpu.memref_slice %arg3[%dma_start3A_384, %dma_start3A_385] : memref<1003520x64xf32, #tpu.memory_space<hbm>> -> memref<1003520x64xf32, #tpu.memory_space<hbm>>
        tpu.enqueue_indirect_dma source(%dma_start3A_386 : memref<1003520x64xf32, #tpu.memory_space<hbm>>) target(%dma_start3A_380 : memref<100x64xf32, #tpu.memory_space<vmem>>) offsets(%dma_start3A_383 : memref<100xi32, #tpu.memory_space<vmem>>) semaphore(%arg11 : memref<!tpu.dma_semaphore, #tpu.memory_space<semaphore_mem>>)
        %dma_start3A_387 = arith.constant 1 : i32
        %dma_start3A_388 = arith.constant 3 : i32
        %dma_start3A_389 = arith.constant 1 : i32
        %dma_start3A_390 = arith.constant 0 : i32
        %dma_start3A_391 = arith.constant 0 : i32
        %dma_start3A_392 = tpu.memref_slice %arg6[%dma_start3A_388, %dma_start3A_389, %dma_start3A_390, %dma_start3A_391] : memref<4x2x100x64xf32, #tpu.memory_space<vmem>> -> memref<1x1x100x64xf32, #tpu.memory_space<vmem>>
        %dma_start3A_393 = tpu.memref_squeeze %dma_start3A_392 : memref<1x1x100x64xf32, #tpu.memory_space<vmem>> -> memref<100x64xf32, #tpu.memory_space<vmem>>
        %dma_start3A_394 = arith.constant 0 : i32
        %dma_start3A_395 = tpu.memref_slice %arg5[%add3A_340, %dma_start3A_387, %dma_start3A_394] : memref<128x2x100xi32, #tpu.memory_space<vmem>> -> memref<1x1x100xi32, #tpu.memory_space<vmem>>
        %dma_start3A_396 = tpu.memref_squeeze %dma_start3A_395 : memref<1x1x100xi32, #tpu.memory_space<vmem>> -> memref<100xi32, #tpu.memory_space<vmem>>
        %dma_start3A_397 = arith.constant 0 : i32
        %dma_start3A_398 = arith.constant 0 : i32
        %dma_start3A_399 = tpu.memref_slice %arg3[%dma_start3A_397, %dma_start3A_398] : memref<1003520x64xf32, #tpu.memory_space<hbm>> -> memref<1003520x64xf32, #tpu.memory_space<hbm>>
        tpu.enqueue_indirect_dma source(%dma_start3A_399 : memref<1003520x64xf32, #tpu.memory_space<hbm>>) target(%dma_start3A_393 : memref<100x64xf32, #tpu.memory_space<vmem>>) offsets(%dma_start3A_396 : memref<100xi32, #tpu.memory_space<vmem>>) semaphore(%arg11 : memref<!tpu.dma_semaphore, #tpu.memory_space<semaphore_mem>>)
      } else {
      }
      %broadcast_in_dim3A_346 = arith.constant 0.000000e+00 : f32
      %broadcast_in_dim3A_347 = vector.broadcast %broadcast_in_dim3A_346 : f32 to vector<16xf32>
      %scan3A_348 = arith.constant 0 : i32
      %scan3A_349 = arith.constant 25 : i32
      %scan3A_350 = arith.addi %scan3A_348, %scan3A_349 : i32
      %scan3A_351 = arith.constant 1 : i32
      %scan3A_352:4 = scf.for %scan3A_374 = %scan3A_348 to %scan3A_350 step %scan3A_351 iter_args(%scan3A_375 = %broadcast_in_dim3A_347, %scan3A_376 = %broadcast_in_dim3A_347, %scan3A_377 = %broadcast_in_dim3A_347, %scan3A_378 = %broadcast_in_dim3A_347) -> (vector<16xf32>, vector<16xf32>, vector<16xf32>, vector<16xf32>)  : i32 {
        %mul3A_379 = arith.constant 4 : i32
        %mul3A_380 = arith.muli %scan3A_374, %mul3A_379 : i32
        %add3A_381 = arith.constant 0 : i32
        %add3A_382 = arith.addi %mul3A_380, %add3A_381 : i32
        %get3A = arith.constant 3 : i32
        %get3A_383 = arith.constant 0 : i32
        %get3A_384 = arith.index_cast %get3A : i32 to index
        %get3A_385 = arith.index_cast %get3A_383 : i32 to index
        %get3A_386 = arith.index_cast %add3A_382 : i32 to index
        %get3A_387 = arith.constant 0 : index
        %get3A_388 = tpu.vector_load %arg6[%get3A_384, %get3A_385, %get3A_386, %get3A_387] {strides = array<i32>} : memref<4x2x100x64xf32, #tpu.memory_space<vmem>>, vector<1x1x1x16xf32>,
        %get3A_389 = vector.shape_cast %get3A_388 : vector<1x1x1x16xf32> to vector<16xf32>
        %add3A_390 = arith.addf %scan3A_375, %get3A_389 : vector<16xf32>
        %get3A_391 = arith.constant 3 : i32
        %get3A_392 = arith.constant 0 : i32
        %get3A_393 = arith.index_cast %get3A_391 : i32 to index
        %get3A_394 = arith.index_cast %get3A_392 : i32 to index
        %get3A_395 = arith.index_cast %add3A_382 : i32 to index
        %get3A_396 = arith.constant 16 : index
        %get3A_397 = tpu.vector_load %arg6[%get3A_393, %get3A_394, %get3A_395, %get3A_396] {strides = array<i32>} : memref<4x2x100x64xf32, #tpu.memory_space<vmem>>, vector<1x1x1x16xf32>,
        %get3A_398 = vector.shape_cast %get3A_397 : vector<1x1x1x16xf32> to vector<16xf32>
        %add3A_399 = arith.addf %scan3A_376, %get3A_398 : vector<16xf32>
        %get3A_400 = arith.constant 3 : i32
        %get3A_401 = arith.constant 0 : i32
        %get3A_402 = arith.index_cast %get3A_400 : i32 to index
        %get3A_403 = arith.index_cast %get3A_401 : i32 to index
        %get3A_404 = arith.index_cast %add3A_382 : i32 to index
        %get3A_405 = arith.constant 32 : index
        %get3A_406 = tpu.vector_load %arg6[%get3A_402, %get3A_403, %get3A_404, %get3A_405] {strides = array<i32>} : memref<4x2x100x64xf32, #tpu.memory_space<vmem>>, vector<1x1x1x16xf32>,
        %get3A_407 = vector.shape_cast %get3A_406 : vector<1x1x1x16xf32> to vector<16xf32>
        %add3A_408 = arith.addf %scan3A_377, %get3A_407 : vector<16xf32>
        %get3A_409 = arith.constant 3 : i32
        %get3A_410 = arith.constant 0 : i32
        %get3A_411 = arith.index_cast %get3A_409 : i32 to index
        %get3A_412 = arith.index_cast %get3A_410 : i32 to index
        %get3A_413 = arith.index_cast %add3A_382 : i32 to index
        %get3A_414 = arith.constant 48 : index
        %get3A_415 = tpu.vector_load %arg6[%get3A_411, %get3A_412, %get3A_413, %get3A_414] {strides = array<i32>} : memref<4x2x100x64xf32, #tpu.memory_space<vmem>>, vector<1x1x1x16xf32>,
        %get3A_416 = vector.shape_cast %get3A_415 : vector<1x1x1x16xf32> to vector<16xf32>
        %add3A_417 = arith.addf %scan3A_378, %get3A_416 : vector<16xf32>
        %mul3A_418 = arith.constant 4 : i32
        %mul3A_419 = arith.muli %scan3A_374, %mul3A_418 : i32
        %add3A_420 = arith.constant 1 : i32
        %add3A_421 = arith.addi %mul3A_419, %add3A_420 : i32
        %get3A_422 = arith.constant 3 : i32
        %get3A_423 = arith.constant 0 : i32
        %get3A_424 = arith.index_cast %get3A_422 : i32 to index
        %get3A_425 = arith.index_cast %get3A_423 : i32 to index
        %get3A_426 = arith.index_cast %add3A_421 : i32 to index
        %get3A_427 = arith.constant 0 : index
        %get3A_428 = tpu.vector_load %arg6[%get3A_424, %get3A_425, %get3A_426, %get3A_427] {strides = array<i32>} : memref<4x2x100x64xf32, #tpu.memory_space<vmem>>, vector<1x1x1x16xf32>,
        %get3A_429 = vector.shape_cast %get3A_428 : vector<1x1x1x16xf32> to vector<16xf32>
        %add3A_430 = arith.addf %add3A_390, %get3A_429 : vector<16xf32>
        %get3A_431 = arith.constant 3 : i32
        %get3A_432 = arith.constant 0 : i32
        %get3A_433 = arith.index_cast %get3A_431 : i32 to index
        %get3A_434 = arith.index_cast %get3A_432 : i32 to index
        %get3A_435 = arith.index_cast %add3A_421 : i32 to index
        %get3A_436 = arith.constant 16 : index
        %get3A_437 = tpu.vector_load %arg6[%get3A_433, %get3A_434, %get3A_435, %get3A_436] {strides = array<i32>} : memref<4x2x100x64xf32, #tpu.memory_space<vmem>>, vector<1x1x1x16xf32>,
        %get3A_438 = vector.shape_cast %get3A_437 : vector<1x1x1x16xf32> to vector<16xf32>
        %add3A_439 = arith.addf %add3A_399, %get3A_438 : vector<16xf32>
        %get3A_440 = arith.constant 3 : i32
        %get3A_441 = arith.constant 0 : i32
        %get3A_442 = arith.index_cast %get3A_440 : i32 to index
        %get3A_443 = arith.index_cast %get3A_441 : i32 to index
        %get3A_444 = arith.index_cast %add3A_421 : i32 to index
        %get3A_445 = arith.constant 32 : index
        %get3A_446 = tpu.vector_load %arg6[%get3A_442, %get3A_443, %get3A_444, %get3A_445] {strides = array<i32>} : memref<4x2x100x64xf32, #tpu.memory_space<vmem>>, vector<1x1x1x16xf32>,
        %get3A_447 = vector.shape_cast %get3A_446 : vector<1x1x1x16xf32> to vector<16xf32>
        %add3A_448 = arith.addf %add3A_408, %get3A_447 : vector<16xf32>
        %get3A_449 = arith.constant 3 : i32
        %get3A_450 = arith.constant 0 : i32
        %get3A_451 = arith.index_cast %get3A_449 : i32 to index
        %get3A_452 = arith.index_cast %get3A_450 : i32 to index
        %get3A_453 = arith.index_cast %add3A_421 : i32 to index
        %get3A_454 = arith.constant 48 : index
        %get3A_455 = tpu.vector_load %arg6[%get3A_451, %get3A_452, %get3A_453, %get3A_454] {strides = array<i32>} : memref<4x2x100x64xf32, #tpu.memory_space<vmem>>, vector<1x1x1x16xf32>,
        %get3A_456 = vector.shape_cast %get3A_455 : vector<1x1x1x16xf32> to vector<16xf32>
        %add3A_457 = arith.addf %add3A_417, %get3A_456 : vector<16xf32>
        %mul3A_458 = arith.constant 4 : i32
        %mul3A_459 = arith.muli %scan3A_374, %mul3A_458 : i32
        %add3A_460 = arith.constant 2 : i32
        %add3A_461 = arith.addi %mul3A_459, %add3A_460 : i32
        %get3A_462 = arith.constant 3 : i32
        %get3A_463 = arith.constant 0 : i32
        %get3A_464 = arith.index_cast %get3A_462 : i32 to index
        %get3A_465 = arith.index_cast %get3A_463 : i32 to index
        %get3A_466 = arith.index_cast %add3A_461 : i32 to index
        %get3A_467 = arith.constant 0 : index
        %get3A_468 = tpu.vector_load %arg6[%get3A_464, %get3A_465, %get3A_466, %get3A_467] {strides = array<i32>} : memref<4x2x100x64xf32, #tpu.memory_space<vmem>>, vector<1x1x1x16xf32>,
        %get3A_469 = vector.shape_cast %get3A_468 : vector<1x1x1x16xf32> to vector<16xf32>
        %add3A_470 = arith.addf %add3A_430, %get3A_469 : vector<16xf32>
        %get3A_471 = arith.constant 3 : i32
        %get3A_472 = arith.constant 0 : i32
        %get3A_473 = arith.index_cast %get3A_471 : i32 to index
        %get3A_474 = arith.index_cast %get3A_472 : i32 to index
        %get3A_475 = arith.index_cast %add3A_461 : i32 to index
        %get3A_476 = arith.constant 16 : index
        %get3A_477 = tpu.vector_load %arg6[%get3A_473, %get3A_474, %get3A_475, %get3A_476] {strides = array<i32>} : memref<4x2x100x64xf32, #tpu.memory_space<vmem>>, vector<1x1x1x16xf32>,
        %get3A_478 = vector.shape_cast %get3A_477 : vector<1x1x1x16xf32> to vector<16xf32>
        %add3A_479 = arith.addf %add3A_439, %get3A_478 : vector<16xf32>
        %get3A_480 = arith.constant 3 : i32
        %get3A_481 = arith.constant 0 : i32
        %get3A_482 = arith.index_cast %get3A_480 : i32 to index
        %get3A_483 = arith.index_cast %get3A_481 : i32 to index
        %get3A_484 = arith.index_cast %add3A_461 : i32 to index
        %get3A_485 = arith.constant 32 : index
        %get3A_486 = tpu.vector_load %arg6[%get3A_482, %get3A_483, %get3A_484, %get3A_485] {strides = array<i32>} : memref<4x2x100x64xf32, #tpu.memory_space<vmem>>, vector<1x1x1x16xf32>,
        %get3A_487 = vector.shape_cast %get3A_486 : vector<1x1x1x16xf32> to vector<16xf32>
        %add3A_488 = arith.addf %add3A_448, %get3A_487 : vector<16xf32>
        %get3A_489 = arith.constant 3 : i32
        %get3A_490 = arith.constant 0 : i32
        %get3A_491 = arith.index_cast %get3A_489 : i32 to index
        %get3A_492 = arith.index_cast %get3A_490 : i32 to index
        %get3A_493 = arith.index_cast %add3A_461 : i32 to index
        %get3A_494 = arith.constant 48 : index
        %get3A_495 = tpu.vector_load %arg6[%get3A_491, %get3A_492, %get3A_493, %get3A_494] {strides = array<i32>} : memref<4x2x100x64xf32, #tpu.memory_space<vmem>>, vector<1x1x1x16xf32>,
        %get3A_496 = vector.shape_cast %get3A_495 : vector<1x1x1x16xf32> to vector<16xf32>
        %add3A_497 = arith.addf %add3A_457, %get3A_496 : vector<16xf32>
        %mul3A_498 = arith.constant 4 : i32
        %mul3A_499 = arith.muli %scan3A_374, %mul3A_498 : i32
        %add3A_500 = arith.constant 3 : i32
        %add3A_501 = arith.addi %mul3A_499, %add3A_500 : i32
        %get3A_502 = arith.constant 3 : i32
        %get3A_503 = arith.constant 0 : i32
        %get3A_504 = arith.index_cast %get3A_502 : i32 to index
        %get3A_505 = arith.index_cast %get3A_503 : i32 to index
        %get3A_506 = arith.index_cast %add3A_501 : i32 to index
        %get3A_507 = arith.constant 0 : index
        %get3A_508 = tpu.vector_load %arg6[%get3A_504, %get3A_505, %get3A_506, %get3A_507] {strides = array<i32>} : memref<4x2x100x64xf32, #tpu.memory_space<vmem>>, vector<1x1x1x16xf32>,
        %get3A_509 = vector.shape_cast %get3A_508 : vector<1x1x1x16xf32> to vector<16xf32>
        %add3A_510 = arith.addf %add3A_470, %get3A_509 : vector<16xf32>
        %get3A_511 = arith.constant 3 : i32
        %get3A_512 = arith.constant 0 : i32
        %get3A_513 = arith.index_cast %get3A_511 : i32 to index
        %get3A_514 = arith.index_cast %get3A_512 : i32 to index
        %get3A_515 = arith.index_cast %add3A_501 : i32 to index
        %get3A_516 = arith.constant 16 : index
        %get3A_517 = tpu.vector_load %arg6[%get3A_513, %get3A_514, %get3A_515, %get3A_516] {strides = array<i32>} : memref<4x2x100x64xf32, #tpu.memory_space<vmem>>, vector<1x1x1x16xf32>,
        %get3A_518 = vector.shape_cast %get3A_517 : vector<1x1x1x16xf32> to vector<16xf32>
        %add3A_519 = arith.addf %add3A_479, %get3A_518 : vector<16xf32>
        %get3A_520 = arith.constant 3 : i32
        %get3A_521 = arith.constant 0 : i32
        %get3A_522 = arith.index_cast %get3A_520 : i32 to index
        %get3A_523 = arith.index_cast %get3A_521 : i32 to index
        %get3A_524 = arith.index_cast %add3A_501 : i32 to index
        %get3A_525 = arith.constant 32 : index
        %get3A_526 = tpu.vector_load %arg6[%get3A_522, %get3A_523, %get3A_524, %get3A_525] {strides = array<i32>} : memref<4x2x100x64xf32, #tpu.memory_space<vmem>>, vector<1x1x1x16xf32>,
        %get3A_527 = vector.shape_cast %get3A_526 : vector<1x1x1x16xf32> to vector<16xf32>
        %add3A_528 = arith.addf %add3A_488, %get3A_527 : vector<16xf32>
        %get3A_529 = arith.constant 3 : i32
        %get3A_530 = arith.constant 0 : i32
        %get3A_531 = arith.index_cast %get3A_529 : i32 to index
        %get3A_532 = arith.index_cast %get3A_530 : i32 to index
        %get3A_533 = arith.index_cast %add3A_501 : i32 to index
        %get3A_534 = arith.constant 48 : index
        %get3A_535 = tpu.vector_load %arg6[%get3A_531, %get3A_532, %get3A_533, %get3A_534] {strides = array<i32>} : memref<4x2x100x64xf32, #tpu.memory_space<vmem>>, vector<1x1x1x16xf32>,
        %get3A_536 = vector.shape_cast %get3A_535 : vector<1x1x1x16xf32> to vector<16xf32>
        %add3A_537 = arith.addf %add3A_497, %get3A_536 : vector<16xf32>
        %mul3A_538 = arith.constant 4 : i32
        %mul3A_539 = arith.muli %scan3A_374, %mul3A_538 : i32
        %add3A_540 = arith.constant 0 : i32
        %add3A_541 = arith.addi %mul3A_539, %add3A_540 : i32
        %get3A_542 = arith.constant 3 : i32
        %get3A_543 = arith.constant 1 : i32
        %get3A_544 = arith.index_cast %get3A_542 : i32 to index
        %get3A_545 = arith.index_cast %get3A_543 : i32 to index
        %get3A_546 = arith.index_cast %add3A_541 : i32 to index
        %get3A_547 = arith.constant 0 : index
        %get3A_548 = tpu.vector_load %arg6[%get3A_544, %get3A_545, %get3A_546, %get3A_547] {strides = array<i32>} : memref<4x2x100x64xf32, #tpu.memory_space<vmem>>, vector<1x1x1x16xf32>,
        %get3A_549 = vector.shape_cast %get3A_548 : vector<1x1x1x16xf32> to vector<16xf32>
        %add3A_550 = arith.addf %add3A_510, %get3A_549 : vector<16xf32>
        %get3A_551 = arith.constant 3 : i32
        %get3A_552 = arith.constant 1 : i32
        %get3A_553 = arith.index_cast %get3A_551 : i32 to index
        %get3A_554 = arith.index_cast %get3A_552 : i32 to index
        %get3A_555 = arith.index_cast %add3A_541 : i32 to index
        %get3A_556 = arith.constant 16 : index
        %get3A_557 = tpu.vector_load %arg6[%get3A_553, %get3A_554, %get3A_555, %get3A_556] {strides = array<i32>} : memref<4x2x100x64xf32, #tpu.memory_space<vmem>>, vector<1x1x1x16xf32>,
        %get3A_558 = vector.shape_cast %get3A_557 : vector<1x1x1x16xf32> to vector<16xf32>
        %add3A_559 = arith.addf %add3A_519, %get3A_558 : vector<16xf32>
        %get3A_560 = arith.constant 3 : i32
        %get3A_561 = arith.constant 1 : i32
        %get3A_562 = arith.index_cast %get3A_560 : i32 to index
        %get3A_563 = arith.index_cast %get3A_561 : i32 to index
        %get3A_564 = arith.index_cast %add3A_541 : i32 to index
        %get3A_565 = arith.constant 32 : index
        %get3A_566 = tpu.vector_load %arg6[%get3A_562, %get3A_563, %get3A_564, %get3A_565] {strides = array<i32>} : memref<4x2x100x64xf32, #tpu.memory_space<vmem>>, vector<1x1x1x16xf32>,
        %get3A_567 = vector.shape_cast %get3A_566 : vector<1x1x1x16xf32> to vector<16xf32>
        %add3A_568 = arith.addf %add3A_528, %get3A_567 : vector<16xf32>
        %get3A_569 = arith.constant 3 : i32
        %get3A_570 = arith.constant 1 : i32
        %get3A_571 = arith.index_cast %get3A_569 : i32 to index
        %get3A_572 = arith.index_cast %get3A_570 : i32 to index
        %get3A_573 = arith.index_cast %add3A_541 : i32 to index
        %get3A_574 = arith.constant 48 : index
        %get3A_575 = tpu.vector_load %arg6[%get3A_571, %get3A_572, %get3A_573, %get3A_574] {strides = array<i32>} : memref<4x2x100x64xf32, #tpu.memory_space<vmem>>, vector<1x1x1x16xf32>,
        %get3A_576 = vector.shape_cast %get3A_575 : vector<1x1x1x16xf32> to vector<16xf32>
        %add3A_577 = arith.addf %add3A_537, %get3A_576 : vector<16xf32>
        %mul3A_578 = arith.constant 4 : i32
        %mul3A_579 = arith.muli %scan3A_374, %mul3A_578 : i32
        %add3A_580 = arith.constant 1 : i32
        %add3A_581 = arith.addi %mul3A_579, %add3A_580 : i32
        %get3A_582 = arith.constant 3 : i32
        %get3A_583 = arith.constant 1 : i32
        %get3A_584 = arith.index_cast %get3A_582 : i32 to index
        %get3A_585 = arith.index_cast %get3A_583 : i32 to index
        %get3A_586 = arith.index_cast %add3A_581 : i32 to index
        %get3A_587 = arith.constant 0 : index
        %get3A_588 = tpu.vector_load %arg6[%get3A_584, %get3A_585, %get3A_586, %get3A_587] {strides = array<i32>} : memref<4x2x100x64xf32, #tpu.memory_space<vmem>>, vector<1x1x1x16xf32>,
        %get3A_589 = vector.shape_cast %get3A_588 : vector<1x1x1x16xf32> to vector<16xf32>
        %add3A_590 = arith.addf %add3A_550, %get3A_589 : vector<16xf32>
        %get3A_591 = arith.constant 3 : i32
        %get3A_592 = arith.constant 1 : i32
        %get3A_593 = arith.index_cast %get3A_591 : i32 to index
        %get3A_594 = arith.index_cast %get3A_592 : i32 to index
        %get3A_595 = arith.index_cast %add3A_581 : i32 to index
        %get3A_596 = arith.constant 16 : index
        %get3A_597 = tpu.vector_load %arg6[%get3A_593, %get3A_594, %get3A_595, %get3A_596] {strides = array<i32>} : memref<4x2x100x64xf32, #tpu.memory_space<vmem>>, vector<1x1x1x16xf32>,
        %get3A_598 = vector.shape_cast %get3A_597 : vector<1x1x1x16xf32> to vector<16xf32>
        %add3A_599 = arith.addf %add3A_559, %get3A_598 : vector<16xf32>
        %get3A_600 = arith.constant 3 : i32
        %get3A_601 = arith.constant 1 : i32
        %get3A_602 = arith.index_cast %get3A_600 : i32 to index
        %get3A_603 = arith.index_cast %get3A_601 : i32 to index
        %get3A_604 = arith.index_cast %add3A_581 : i32 to index
        %get3A_605 = arith.constant 32 : index
        %get3A_606 = tpu.vector_load %arg6[%get3A_602, %get3A_603, %get3A_604, %get3A_605] {strides = array<i32>} : memref<4x2x100x64xf32, #tpu.memory_space<vmem>>, vector<1x1x1x16xf32>,
        %get3A_607 = vector.shape_cast %get3A_606 : vector<1x1x1x16xf32> to vector<16xf32>
        %add3A_608 = arith.addf %add3A_568, %get3A_607 : vector<16xf32>
        %get3A_609 = arith.constant 3 : i32
        %get3A_610 = arith.constant 1 : i32
        %get3A_611 = arith.index_cast %get3A_609 : i32 to index
        %get3A_612 = arith.index_cast %get3A_610 : i32 to index
        %get3A_613 = arith.index_cast %add3A_581 : i32 to index
        %get3A_614 = arith.constant 48 : index
        %get3A_615 = tpu.vector_load %arg6[%get3A_611, %get3A_612, %get3A_613, %get3A_614] {strides = array<i32>} : memref<4x2x100x64xf32, #tpu.memory_space<vmem>>, vector<1x1x1x16xf32>,
        %get3A_616 = vector.shape_cast %get3A_615 : vector<1x1x1x16xf32> to vector<16xf32>
        %add3A_617 = arith.addf %add3A_577, %get3A_616 : vector<16xf32>
        %mul3A_618 = arith.constant 4 : i32
        %mul3A_619 = arith.muli %scan3A_374, %mul3A_618 : i32
        %add3A_620 = arith.constant 2 : i32
        %add3A_621 = arith.addi %mul3A_619, %add3A_620 : i32
        %get3A_622 = arith.constant 3 : i32
        %get3A_623 = arith.constant 1 : i32
        %get3A_624 = arith.index_cast %get3A_622 : i32 to index
        %get3A_625 = arith.index_cast %get3A_623 : i32 to index
        %get3A_626 = arith.index_cast %add3A_621 : i32 to index
        %get3A_627 = arith.constant 0 : index
        %get3A_628 = tpu.vector_load %arg6[%get3A_624, %get3A_625, %get3A_626, %get3A_627] {strides = array<i32>} : memref<4x2x100x64xf32, #tpu.memory_space<vmem>>, vector<1x1x1x16xf32>,
        %get3A_629 = vector.shape_cast %get3A_628 : vector<1x1x1x16xf32> to vector<16xf32>
        %add3A_630 = arith.addf %add3A_590, %get3A_629 : vector<16xf32>
        %get3A_631 = arith.constant 3 : i32
        %get3A_632 = arith.constant 1 : i32
        %get3A_633 = arith.index_cast %get3A_631 : i32 to index
        %get3A_634 = arith.index_cast %get3A_632 : i32 to index
        %get3A_635 = arith.index_cast %add3A_621 : i32 to index
        %get3A_636 = arith.constant 16 : index
        %get3A_637 = tpu.vector_load %arg6[%get3A_633, %get3A_634, %get3A_635, %get3A_636] {strides = array<i32>} : memref<4x2x100x64xf32, #tpu.memory_space<vmem>>, vector<1x1x1x16xf32>,
        %get3A_638 = vector.shape_cast %get3A_637 : vector<1x1x1x16xf32> to vector<16xf32>
        %add3A_639 = arith.addf %add3A_599, %get3A_638 : vector<16xf32>
        %get3A_640 = arith.constant 3 : i32
        %get3A_641 = arith.constant 1 : i32
        %get3A_642 = arith.index_cast %get3A_640 : i32 to index
        %get3A_643 = arith.index_cast %get3A_641 : i32 to index
        %get3A_644 = arith.index_cast %add3A_621 : i32 to index
        %get3A_645 = arith.constant 32 : index
        %get3A_646 = tpu.vector_load %arg6[%get3A_642, %get3A_643, %get3A_644, %get3A_645] {strides = array<i32>} : memref<4x2x100x64xf32, #tpu.memory_space<vmem>>, vector<1x1x1x16xf32>,
        %get3A_647 = vector.shape_cast %get3A_646 : vector<1x1x1x16xf32> to vector<16xf32>
        %add3A_648 = arith.addf %add3A_608, %get3A_647 : vector<16xf32>
        %get3A_649 = arith.constant 3 : i32
        %get3A_650 = arith.constant 1 : i32
        %get3A_651 = arith.index_cast %get3A_649 : i32 to index
        %get3A_652 = arith.index_cast %get3A_650 : i32 to index
        %get3A_653 = arith.index_cast %add3A_621 : i32 to index
        %get3A_654 = arith.constant 48 : index
        %get3A_655 = tpu.vector_load %arg6[%get3A_651, %get3A_652, %get3A_653, %get3A_654] {strides = array<i32>} : memref<4x2x100x64xf32, #tpu.memory_space<vmem>>, vector<1x1x1x16xf32>,
        %get3A_656 = vector.shape_cast %get3A_655 : vector<1x1x1x16xf32> to vector<16xf32>
        %add3A_657 = arith.addf %add3A_617, %get3A_656 : vector<16xf32>
        %mul3A_658 = arith.constant 4 : i32
        %mul3A_659 = arith.muli %scan3A_374, %mul3A_658 : i32
        %add3A_660 = arith.constant 3 : i32
        %add3A_661 = arith.addi %mul3A_659, %add3A_660 : i32
        %get3A_662 = arith.constant 3 : i32
        %get3A_663 = arith.constant 1 : i32
        %get3A_664 = arith.index_cast %get3A_662 : i32 to index
        %get3A_665 = arith.index_cast %get3A_663 : i32 to index
        %get3A_666 = arith.index_cast %add3A_661 : i32 to index
        %get3A_667 = arith.constant 0 : index
        %get3A_668 = tpu.vector_load %arg6[%get3A_664, %get3A_665, %get3A_666, %get3A_667] {strides = array<i32>} : memref<4x2x100x64xf32, #tpu.memory_space<vmem>>, vector<1x1x1x16xf32>,
        %get3A_669 = vector.shape_cast %get3A_668 : vector<1x1x1x16xf32> to vector<16xf32>
        %add3A_670 = arith.addf %add3A_630, %get3A_669 : vector<16xf32>
        %get3A_671 = arith.constant 3 : i32
        %get3A_672 = arith.constant 1 : i32
        %get3A_673 = arith.index_cast %get3A_671 : i32 to index
        %get3A_674 = arith.index_cast %get3A_672 : i32 to index
        %get3A_675 = arith.index_cast %add3A_661 : i32 to index
        %get3A_676 = arith.constant 16 : index
        %get3A_677 = tpu.vector_load %arg6[%get3A_673, %get3A_674, %get3A_675, %get3A_676] {strides = array<i32>} : memref<4x2x100x64xf32, #tpu.memory_space<vmem>>, vector<1x1x1x16xf32>,
        %get3A_678 = vector.shape_cast %get3A_677 : vector<1x1x1x16xf32> to vector<16xf32>
        %add3A_679 = arith.addf %add3A_639, %get3A_678 : vector<16xf32>
        %get3A_680 = arith.constant 3 : i32
        %get3A_681 = arith.constant 1 : i32
        %get3A_682 = arith.index_cast %get3A_680 : i32 to index
        %get3A_683 = arith.index_cast %get3A_681 : i32 to index
        %get3A_684 = arith.index_cast %add3A_661 : i32 to index
        %get3A_685 = arith.constant 32 : index
        %get3A_686 = tpu.vector_load %arg6[%get3A_682, %get3A_683, %get3A_684, %get3A_685] {strides = array<i32>} : memref<4x2x100x64xf32, #tpu.memory_space<vmem>>, vector<1x1x1x16xf32>,
        %get3A_687 = vector.shape_cast %get3A_686 : vector<1x1x1x16xf32> to vector<16xf32>
        %add3A_688 = arith.addf %add3A_648, %get3A_687 : vector<16xf32>
        %get3A_689 = arith.constant 3 : i32
        %get3A_690 = arith.constant 1 : i32
        %get3A_691 = arith.index_cast %get3A_689 : i32 to index
        %get3A_692 = arith.index_cast %get3A_690 : i32 to index
        %get3A_693 = arith.index_cast %add3A_661 : i32 to index
        %get3A_694 = arith.constant 48 : index
        %get3A_695 = tpu.vector_load %arg6[%get3A_691, %get3A_692, %get3A_693, %get3A_694] {strides = array<i32>} : memref<4x2x100x64xf32, #tpu.memory_space<vmem>>, vector<1x1x1x16xf32>,
        %get3A_696 = vector.shape_cast %get3A_695 : vector<1x1x1x16xf32> to vector<16xf32>
        %add3A_697 = arith.addf %add3A_657, %get3A_696 : vector<16xf32>
        scf.yield %add3A_670, %add3A_679, %add3A_688, %add3A_697 : vector<16xf32>, vector<16xf32>, vector<16xf32>, vector<16xf32>
      }
      %scan3A_353 = arith.constant 25 : i32
      %swap3A_354 = arith.index_cast %add3A_312 : i32 to index
      %swap3A_355 = arith.constant 0 : index
      %swap3A_356 = tpu.vector_load %arg7[%swap3A_354, %swap3A_355] {strides = array<i32>} : memref<128x64xf32, #tpu.memory_space<vmem>>, vector<1x16xf32>,
      %swap3A_357 = vector.shape_cast %swap3A_356 : vector<1x16xf32> to vector<16xf32>
      %swap3A_358 = vector.shape_cast %scan3A_352#0 : vector<16xf32> to vector<1x16xf32>
      tpu.vector_store %arg7[%swap3A_354, %swap3A_355], %swap3A_358 {strides = array<i32>} : memref<128x64xf32, #tpu.memory_space<vmem>>, vector<1x16xf32>,
      %swap3A_359 = arith.index_cast %add3A_312 : i32 to index
      %swap3A_360 = arith.constant 16 : index
      %swap3A_361 = tpu.vector_load %arg7[%swap3A_359, %swap3A_360] {strides = array<i32>} : memref<128x64xf32, #tpu.memory_space<vmem>>, vector<1x16xf32>,
      %swap3A_362 = vector.shape_cast %swap3A_361 : vector<1x16xf32> to vector<16xf32>
      %swap3A_363 = vector.shape_cast %scan3A_352#1 : vector<16xf32> to vector<1x16xf32>
      tpu.vector_store %arg7[%swap3A_359, %swap3A_360], %swap3A_363 {strides = array<i32>} : memref<128x64xf32, #tpu.memory_space<vmem>>, vector<1x16xf32>,
      %swap3A_364 = arith.index_cast %add3A_312 : i32 to index
      %swap3A_365 = arith.constant 32 : index
      %swap3A_366 = tpu.vector_load %arg7[%swap3A_364, %swap3A_365] {strides = array<i32>} : memref<128x64xf32, #tpu.memory_space<vmem>>, vector<1x16xf32>,
      %swap3A_367 = vector.shape_cast %swap3A_366 : vector<1x16xf32> to vector<16xf32>
      %swap3A_368 = vector.shape_cast %scan3A_352#2 : vector<16xf32> to vector<1x16xf32>
      tpu.vector_store %arg7[%swap3A_364, %swap3A_365], %swap3A_368 {strides = array<i32>} : memref<128x64xf32, #tpu.memory_space<vmem>>, vector<1x16xf32>,
      %swap3A_369 = arith.index_cast %add3A_312 : i32 to index
      %swap3A_370 = arith.constant 48 : index
      %swap3A_371 = tpu.vector_load %arg7[%swap3A_369, %swap3A_370] {strides = array<i32>} : memref<128x64xf32, #tpu.memory_space<vmem>>, vector<1x16xf32>,
      %swap3A_372 = vector.shape_cast %swap3A_371 : vector<1x16xf32> to vector<16xf32>
      %swap3A_373 = vector.shape_cast %scan3A_352#3 : vector<16xf32> to vector<1x16xf32>
      tpu.vector_store %arg7[%swap3A_369, %swap3A_370], %swap3A_373 {strides = array<i32>} : memref<128x64xf32, #tpu.memory_space<vmem>>, vector<1x16xf32>,
    }
    %scan3A_116 = arith.constant 32 : i32
    %mul3A_117 = arith.constant 128 : i32
    %mul3A_118 = arith.muli %add3A, %mul3A_117 : i32
    "tpu.region"() ({
      %run_scoped3A = tpu.sem_alloc : memref<!tpu.dma_semaphore, #tpu.memory_space<semaphore_mem>>
      %dma_start3A_119 = arith.constant 0 : i32
      %dma_start3A_120 = tpu.memref_slice %arg4[%mul3A_118, %dma_start3A_119] : memref<4096x64xf32, #tpu.memory_space<hbm>> -> memref<128x64xf32, #tpu.memory_space<hbm>>
      %dma_start3A_121 = arith.constant 0 : i32
      %dma_start3A_122 = tpu.memref_slice %arg4[%mul3A_118, %dma_start3A_121] : memref<4096x64xf32, #tpu.memory_space<hbm>> -> memref<128x64xf32, #tpu.memory_space<hbm>>
      tpu.enqueue_dma source(%arg7 : memref<128x64xf32, #tpu.memory_space<vmem>>) target(%dma_start3A_122 : memref<128x64xf32, #tpu.memory_space<hbm>>) target_semaphore(%run_scoped3A : memref<!tpu.dma_semaphore, #tpu.memory_space<semaphore_mem>>)
      %dma_wait3A = arith.constant 0 : i32
      %dma_wait3A_123 = tpu.memref_slice %arg4[%mul3A_118, %dma_wait3A] : memref<4096x64xf32, #tpu.memory_space<hbm>> -> memref<128x64xf32, #tpu.memory_space<hbm>>
      %dma_wait3A_124 = arith.constant 0 : i32
      %dma_wait3A_125 = tpu.memref_slice %arg4[%mul3A_118, %dma_wait3A_124] : memref<4096x64xf32, #tpu.memory_space<hbm>> -> memref<128x64xf32, #tpu.memory_space<hbm>>
      tpu.wait_dma2 semaphore(%run_scoped3A : memref<!tpu.dma_semaphore, #tpu.memory_space<semaphore_mem>>) src(%arg7 : memref<128x64xf32, #tpu.memory_space<vmem>>) dst(%dma_wait3A_125 : memref<128x64xf32, #tpu.memory_space<hbm>>)
      tpu.yield
    }) : () -> ()
    return
  }
}

module attributes {stable_mosaic.version = 14 : i64} {
  func.func @_tp_body(%arg0: i32, %arg1: memref<64x4096xf32, #tpu.memory_space<vmem>>, %arg2: memref<2048x128xf32, #tpu.memory_space<vmem>>) attributes {dimension_semantics = [#tpu.dimension_semantics<arbitrary>], iteration_bounds = array<i64: 245>, scalar_prefetch = 0 : i64, scratch_operands = 0 : i64, tpu.core_type = #tpu.core_type<tc>, window_params = [{transform_indices = @transform_0, window_bounds = array<i64: 64, 4096>}, {transform_indices = @transform_1, window_bounds = array<i64: 2048, 128>}]} {
    %get3A = arith.constant 0 : index
    %get3A_0 = arith.constant 0 : index
    %get3A_1 = vector.load %arg1[%get3A, %get3A_0] : memref<64x4096xf32, #tpu.memory_space<vmem>>, vector<64x4096xf32>
    %iota3A = tpu.iota {dimensions = array<i32: 0>} : vector<64x64xi32>
    %iota3A_2 = tpu.iota {dimensions = array<i32: 1>} : vector<64x64xi32>
    %eq3A = arith.cmpi eq, %iota3A, %iota3A_2 : vector<64x64xi32>
    %convert_element_type3A = arith.extui %eq3A : vector<64x64xi1> to vector<64x64xi32>
    %convert_element_type3A_3 = arith.sitofp %convert_element_type3A : vector<64x64xi32> to vector<64x64xf32>
    %dot_general3A = arith.constant dense<0.000000e+00> : vector<4096x64xf32>
    %dot_general3A_4 = tpu.matmul %get3A_1, %convert_element_type3A_3, %dot_general3A {dimension_numbers = #tpu.dot_dimension_numbers<[0], [0], [1], [1], [0, 1, 1, 1], [], []>, transpose_lhs_hint = false} : vector<64x4096xf32>, vector<64x64xf32>, vector<4096x64xf32> -> vector<4096x64xf32>
    %slice3A = vector.extract_strided_slice %dot_general3A_4 {offsets = [0, 0], sizes = [2048, 64], strides = [1, 1]} : vector<4096x64xf32> to vector<2048x64xf32>
    %slice3A_5 = vector.extract_strided_slice %dot_general3A_4 {offsets = [2048, 0], sizes = [2048, 64], strides = [1, 1]} : vector<4096x64xf32> to vector<2048x64xf32>
    %concatenate3A = tpu.concatenate %slice3A, %slice3A_5 in 1 : vector<2048x64xf32>, vector<2048x64xf32> -> vector<2048x128xf32>
    %swap3A = arith.constant 0 : index
    %swap3A_6 = arith.constant 0 : index
    %swap3A_7 = vector.load %arg2[%swap3A, %swap3A_6] : memref<2048x128xf32, #tpu.memory_space<vmem>>, vector<2048x128xf32>
    tpu.vector_store %arg2[%swap3A, %swap3A_6], %concatenate3A {strides = array<i32>} : memref<2048x128xf32, #tpu.memory_space<vmem>>, vector<2048x128xf32>,
    return
  }
  func.func @transform_0(%arg0: i32) -> (i32, i32) {
    %c0_i32 = arith.constant 0 : i32
    %c0_i32_0 = arith.constant 0 : i32
    return %c0_i32, %arg0 : i32, i32
  }
  func.func @transform_1(%arg0: i32) -> (i32, i32) {
    %c0_i32 = arith.constant 0 : i32
    %c0_i32_0 = arith.constant 0 : i32
    return %arg0, %c0_i32 : i32, i32
  }
}

module attributes {stable_mosaic.version = 14 : i64} {
  func.func @_mlp_body(%arg0: i32, %arg1: memref<512x64xf32, #tpu.memory_space<vmem>>, %arg2: memref<64x256xf32, #tpu.memory_space<vmem>>, %arg3: memref<1x256xf32, #tpu.memory_space<vmem>>, %arg4: memref<256x174xf32, #tpu.memory_space<vmem>>, %arg5: memref<1x174xf32, #tpu.memory_space<vmem>>, %arg6: memref<512x174xf32, #tpu.memory_space<vmem>>) attributes {dimension_semantics = [#tpu.dimension_semantics<arbitrary>], iteration_bounds = array<i64: 8>, scalar_prefetch = 0 : i64, scratch_operands = 0 : i64, tpu.core_type = #tpu.core_type<tc>, window_params = [{transform_indices = @transform_0, window_bounds = array<i64: 512, 64>}, {pipeline_mode = #tpu.pipeline_mode<synchronous>, transform_indices = @transform_1, window_bounds = array<i64: 64, 256>}, {pipeline_mode = #tpu.pipeline_mode<synchronous>, transform_indices = @transform_2, window_bounds = array<i64: 1, 256>}, {pipeline_mode = #tpu.pipeline_mode<synchronous>, transform_indices = @transform_3, window_bounds = array<i64: 256, 174>}, {pipeline_mode = #tpu.pipeline_mode<synchronous>, transform_indices = @transform_4, window_bounds = array<i64: 1, 174>}, {transform_indices = @transform_5, window_bounds = array<i64: 512, 174>}]} {
    %get3A = arith.constant 0 : index
    %get3A_0 = arith.constant 0 : index
    %get3A_1 = vector.load %arg1[%get3A, %get3A_0] : memref<512x64xf32, #tpu.memory_space<vmem>>, vector<512x64xf32>
    %mul3A = arith.constant 5.000000e-03 : f32
    %mul3A_2 = vector.broadcast %mul3A : f32 to vector<512x64xf32>
    %mul3A_3 = arith.mulf %get3A_1, %mul3A_2 : vector<512x64xf32>
    %get3A_4 = arith.constant 0 : index
    %get3A_5 = arith.constant 0 : index
    %get3A_6 = vector.load %arg2[%get3A_4, %get3A_5] : memref<64x256xf32, #tpu.memory_space<vmem>>, vector<64x256xf32>
    %dot_general3A = arith.constant dense<0.000000e+00> : vector<512x256xf32>
    %dot_general3A_7 = tpu.matmul %mul3A_3, %get3A_6, %dot_general3A {dimension_numbers = #tpu.dot_dimension_numbers<[1], [0], [0], [1], [0, 0, 1, 1], [], []>, transpose_lhs_hint = false} : vector<512x64xf32>, vector<64x256xf32>, vector<512x256xf32> -> vector<512x256xf32>
    %get3A_8 = arith.constant 0 : index
    %get3A_9 = arith.constant 0 : index
    %get3A_10 = vector.load %arg3[%get3A_8, %get3A_9] : memref<1x256xf32, #tpu.memory_space<vmem>>, vector<1x256xf32>
    %add3A = vector.broadcast %get3A_10 : vector<1x256xf32> to vector<512x256xf32>
    %add3A_11 = arith.addf %dot_general3A_7, %add3A : vector<512x256xf32>
    %max3A = arith.constant 0.000000e+00 : f32
    %max3A_12 = vector.broadcast %max3A : f32 to vector<512x256xf32>
    %max3A_13 = arith.maximumf %add3A_11, %max3A_12 : vector<512x256xf32>
    %get3A_14 = arith.constant 0 : index
    %get3A_15 = arith.constant 0 : index
    %get3A_16 = vector.load %arg4[%get3A_14, %get3A_15] : memref<256x174xf32, #tpu.memory_space<vmem>>, vector<256x174xf32>
    %dot_general3A_17 = arith.constant dense<0.000000e+00> : vector<512x174xf32>
    %dot_general3A_18 = tpu.matmul %max3A_13, %get3A_16, %dot_general3A_17 {dimension_numbers = #tpu.dot_dimension_numbers<[1], [0], [0], [1], [0, 0, 1, 1], [], []>, transpose_lhs_hint = false} : vector<512x256xf32>, vector<256x174xf32>, vector<512x174xf32> -> vector<512x174xf32>
    %get3A_19 = arith.constant 0 : index
    %get3A_20 = arith.constant 0 : index
    %get3A_21 = vector.load %arg5[%get3A_19, %get3A_20] : memref<1x174xf32, #tpu.memory_space<vmem>>, vector<1x174xf32>
    %add3A_22 = vector.broadcast %get3A_21 : vector<1x174xf32> to vector<512x174xf32>
    %add3A_23 = arith.addf %dot_general3A_18, %add3A_22 : vector<512x174xf32>
    %neg3A = arith.constant 0.000000e+00 : f32
    %neg3A_24 = vector.broadcast %neg3A : f32 to vector<512x174xf32>
    %neg3A_25 = arith.subf %neg3A_24, %add3A_23 : vector<512x174xf32>
    %exp3A = math.exp %neg3A_25 : vector<512x174xf32>
    %add3A_26 = arith.constant 1.000000e+00 : f32
    %add3A_27 = vector.broadcast %add3A_26 : f32 to vector<512x174xf32>
    %add3A_28 = arith.addf %add3A_27, %exp3A : vector<512x174xf32>
    %div3A = arith.constant 1.000000e+00 : f32
    %div3A_29 = vector.broadcast %div3A : f32 to vector<512x174xf32>
    %div3A_30 = arith.divf %div3A_29, %add3A_28 : vector<512x174xf32>
    %swap3A = arith.constant 0 : index
    %swap3A_31 = arith.constant 0 : index
    %swap3A_32 = vector.load %arg6[%swap3A, %swap3A_31] : memref<512x174xf32, #tpu.memory_space<vmem>>, vector<512x174xf32>
    tpu.vector_store %arg6[%swap3A, %swap3A_31], %div3A_30 {strides = array<i32>} : memref<512x174xf32, #tpu.memory_space<vmem>>, vector<512x174xf32>,
    return
  }
  func.func @transform_0(%arg0: i32) -> (i32, i32) {
    %c0_i32 = arith.constant 0 : i32
    %c0_i32_0 = arith.constant 0 : i32
    return %arg0, %c0_i32 : i32, i32
  }
  func.func @transform_1(%arg0: i32) -> (i32, i32) {
    %c0_i32 = arith.constant 0 : i32
    %c0_i32_0 = arith.constant 0 : i32
    %c0_i32_1 = arith.constant 0 : i32
    return %c0_i32, %c0_i32_0 : i32, i32
  }
  func.func @transform_2(%arg0: i32) -> (i32, i32) {
    %c0_i32 = arith.constant 0 : i32
    %c0_i32_0 = arith.constant 0 : i32
    %c0_i32_1 = arith.constant 0 : i32
    return %c0_i32, %c0_i32_0 : i32, i32
  }
  func.func @transform_3(%arg0: i32) -> (i32, i32) {
    %c0_i32 = arith.constant 0 : i32
    %c0_i32_0 = arith.constant 0 : i32
    %c0_i32_1 = arith.constant 0 : i32
    return %c0_i32, %c0_i32_0 : i32, i32
  }
  func.func @transform_4(%arg0: i32) -> (i32, i32) {
    %c0_i32 = arith.constant 0 : i32
    %c0_i32_0 = arith.constant 0 : i32
    %c0_i32_1 = arith.constant 0 : i32
    return %c0_i32, %c0_i32_0 : i32, i32
  }
  func.func @transform_5(%arg0: i32) -> (i32, i32) {
    %c0_i32 = arith.constant 0 : i32
    %c0_i32_0 = arith.constant 0 : i32
    return %arg0, %c0_i32 : i32, i32
  }
}

</mosaic_0001>

<sc_bundles>
// kernel: kernel.5.cloned.1.call-start
scs
__scs_entry_jumppad:
0x0: {  	(pc) =	sbr.rel $0x88, $3  }
0x1: {  	(tag) =	ssettag $0x0;
	lr =	simm.s32 $0x1  }
0x2: {  	[smem:$0x3F9B] =	sst lr;
	_ =	strace $0xD0000000  }
0x3: {  	_ = 	snop  }
0x4: {  	_ = 	snop  }
0x5: {  	_ = 	snop  }
0x6: {  	_ = 	snop  }
0x7: {  	_ = 	snop  }
__scs_overlays_trampoline_lowered:
0x8: {  	[smem:$0x3FAA] =	sst s0  }
0x9: {  	[smem:$0x3FAB] =	sst s1  }
0xa: {  	[smem:$0x3FAC] =	sst s2  }
0xb: {  	[smem:$0x3FAD] =	sst s3  }
0xc: {  	[smem:$0x3FAE] =	sst s4  }
0xd: {  	[smem:$0x3FAF] =	sst s5  }
0xe: {  	[smem:$0x3FB0] =	sst s6  }
0xf: {  	[smem:$0x3FB1] =	sst s7  }
0x10: {  	[smem:$0x3FB2] =	sst s8  }
0x11: {  	[smem:$0x3FB3] =	sst s9;
	s0 =	simm.s32 @!p0 $0x0  }
0x12: {  	s1 =	sld [smem:$0x3F99];
	s0 =	simm.s32 @p0 $0x1  }
0x13: {  	[smem:$0x3FB4] =	sst s0;
	s0 =	simm.s32 @!p1 $0x0  }
0x14: {  	s2 =	sld [smem:$0x3F98];
	s0 =	simm.s32 @p1 $0x1  }
0x15: {  	[smem:$0x3FB5] =	sst s0;
	s0 =	simm.s32 @!p2 $0x0  }
0x16: {  	s3 =	sld [smem:$0x3FDB];
	s0 =	simm.s32 @p2 $0x1  }
0x17: {  	s4 =	simm.s32 $0x1BF5;
	[smem:$0x3FB7] =	sst s0  }
0x18: {  	s0 =	sld [smem:$0x3F9A];
	_ =	swait.ge [sflag:s4], $0x0  }
0x19: {  	s7 =	sld [smem:$0x3F9B]  }
0x1a: {  	s8 =	sadd.s32 $0xFFFFE003, lr  }
0x1b: {  	s9 =	sadd.s32 $0xFFFFFEF7, lr;
	s5 =	simm.s32 $0xFFFFFFFF;
	p2 =	slt.u32 s8, $0xFFFFF086  }
0x1c: {  	p1 =	slt.u32 s9, $0xF7A;
	s5 =	simm.s32 @!p2 $0x0  }
0x1d: {  	s5 =	simm.s32 @p1 $0x1;
	p0 =	seq.s32 s7, s2  }
0x1e: {  	s7 =	smul.u32 @!p0 $0xF7A, s2;
	p2 =	seq.s32 @!p0 s5, $0x0  }
0x1f: {  	s9 =	smul.u32 $0xF7A, s1;
	s8 =	simm.s32 @!p0 $0x1BF5;
	p2 =	por !p2, p0  }
0x20: {  	[sflag:s8] =	ssyncset.s32 @!p0 $0xFFFFF086;
	s6 =	sadd.s32 @!p0 s3, s7;
	s7 =	simm.s32 @!p0 $0x108  }
0x21: {  	s3 =	sadd.s32 s3, s9;
	s6 =	sadd.s32 @!p0 $0x88, s6;
	s7 =	simm.s32 @p2 $0x1082  }
0x22: {  	[simem:s7], [sflag:s8] =	dma.local @!p0 [hbm:s6], $0xF7A  }
0x23: {  	s9 =	sor.u32 $0xD0000000, s2;
	s6 =	simm.s32 $0x108;
	_ =	swait.ge @!p0 [sflag:s8], $0x0  }
0x24: {  	s3 =	sadd.s32 $0x88, s3;
	s6 =	simm.s32 @!p1 $0x1082;
	[sflag:s4] =	ssyncset.s32 $0xFFFFF086  }
0x25: {  	[simem:s6], [sflag:s4] =	dma.local [hbm:s3], $0xF7A  }
0x26: {  	[smem:$0x3F9B] =	sst s1;
	(tag) =	ssettag s2;
	_ =	strace s9  }
0x27: {  	s1 =	sld [smem:$0x3FAB]  }
0x28: {  	s2 =	sld [smem:$0x3FAC]  }
0x29: {  	s4 =	sld [smem:$0x3FAE]  }
0x2a: {  	p0 =	seq.s32 s5, $0x0;
	s5 =	sld [smem:$0x3FAF]  }
0x2b: {  	s6 =	sld [smem:$0x3FB0]  }
0x2c: {  	s7 =	sld [smem:$0x3FB1]  }
0x2d: {  	s3 =	simm.s32 $0x108;
	s8 =	sld [smem:$0x3FB2]  }
0x2e: {  	s3 =	simm.s32 @!p0 $0x1082;
	s9 =	sld [smem:$0x3FB3]  }
0x2f: {  	lr =	sadd.s32 s0, s3;
	s0 =	sld [smem:$0x3FAA]  }
0x30: {  	s3 =	sld [smem:$0x3FAD]  }
0x31: {  	[smem:$0x3FB6] =	sst s10  }
0x32: {  	s10 =	sld [smem:$0x3FB4];
	_ =	sdelay $0x3  }
0x33: {  	p0 =	seq.s32 s10, $0x1;
	s10 =	sld [smem:$0x3FB6];
	_ =	sdelay $0x3  }
0x34: {  	[smem:$0x3FB6] =	sst s10  }
0x35: {  	s10 =	sld [smem:$0x3FB5];
	_ =	sdelay $0x3  }
0x36: {  	p1 =	seq.s32 s10, $0x1;
	s10 =	sld [smem:$0x3FB6];
	_ =	sdelay $0x3  }
0x37: {  	[smem:$0x3FB6] =	sst s10  }
0x38: {  	s10 =	sld [smem:$0x3FB7]  }
0x39: {  	_ = 	snop;
	(pc) =	sbr.ind lr, $3  }
0x3a: {  	_ = 	snop  }
0x3b: {  	_ = 	snop  }
0x3c: {  	p2 =	seq.s32 s10, $0x1;
	s10 =	sld [smem:$0x3FB6]  }
0x3d: {  	_ =	shalt  }
0x3e: {  	_ =	shalt  }
0x3f: {  	_ =	shalt  }
0x40: {  	_ =	shalt  }
0x41: {  	_ =	shalt  }
0x42: {  	_ =	shalt  }
0x43: {  	_ =	shalt  }
0x44: {  	_ =	shalt  }
0x45: {  	_ =	shalt  }
0x46: {  	_ =	shalt  }
0x47: {  	_ =	shalt  }
0x48: {  	_ =	shalt  }
0x49: {  	_ =	shalt  }
0x4a: {  	_ =	shalt  }
0x4b: {  	_ =	shalt  }
0x4c: {  	_ =	shalt  }
0x4d: {  	_ =	shalt  }
0x4e: {  	_ =	shalt  }
0x4f: {  	_ =	shalt  }
0x50: {  	_ =	shalt  }
0x51: {  	_ =	shalt  }
0x52: {  	_ =	shalt  }
0x53: {  	_ =	shalt  }
0x54: {  	_ =	shalt  }
0x55: {  	_ =	shalt  }
0x56: {  	_ =	shalt  }
0x57: {  	_ =	shalt  }
0x58: {  	_ =	shalt  }
0x59: {  	_ =	shalt  }
0x5a: {  	_ =	shalt  }
0x5b: {  	_ =	shalt  }
0x5c: {  	_ =	shalt  }
0x5d: {  	_ =	shalt  }
0x5e: {  	_ =	shalt  }
0x5f: {  	_ =	shalt  }
0x60: {  	_ =	shalt  }
0x61: {  	_ =	shalt  }
0x62: {  	_ =	shalt  }
0x63: {  	_ =	shalt  }
0x64: {  	_ =	shalt  }
0x65: {  	_ =	shalt  }
0x66: {  	_ =	shalt  }
0x67: {  	_ =	shalt  }
0x68: {  	_ =	shalt  }
0x69: {  	_ =	shalt  }
0x6a: {  	_ =	shalt  }
0x6b: {  	_ =	shalt  }
0x6c: {  	_ =	shalt  }
0x6d: {  	_ =	shalt  }
0x6e: {  	_ =	shalt  }
0x6f: {  	_ =	shalt  }
0x70: {  	_ =	shalt  }
0x71: {  	_ =	shalt  }
0x72: {  	_ =	shalt  }
0x73: {  	_ =	shalt  }
0x74: {  	_ =	shalt  }
0x75: {  	_ =	shalt  }
0x76: {  	_ =	shalt  }
0x77: {  	_ =	shalt  }
0x78: {  	_ =	shalt  }
0x79: {  	_ =	shalt  }
0x7a: {  	_ =	shalt  }
0x7b: {  	_ =	shalt  }
0x7c: {  	_ =	shalt  }
0x7d: {  	_ =	shalt  }
0x7e: {  	_ =	shalt  }
0x7f: {  	_ =	shalt  }
0x80: {  	_ =	shalt  }
0x81: {  	_ =	shalt  }
0x82: {  	_ =	shalt  }
0x83: {  	_ =	shalt  }
0x84: {  	_ =	shalt  }
0x85: {  	_ =	shalt  }
0x86: {  	_ =	shalt  }
0x87: {  	_ =	shalt  }
.Lfunc_end0:
.L_simem_size_0:
called_computation_lowered:
.L_overlay_start_0:
0x88: {  	s2 =	sld [smem:$0x3FD9]  }
0x89: {  	s3 =	sld [smem:$0x3FFE];
	_ =	sdelay $0x1  }
0x8a: {  	s1 =	srdreg.scid  }
0x8b: {  	s0 =	sand.u32 $0x1, s1  }
0x8c: {  	s17 =	sshll.u32 s0, $0xA;
	s2 =	sadd.s32 s3, s2  }
0x8d: {  	s2 =	sadd.s32 s2, s17  }
0x8e: {  	[smem:$0x3FC2] =	sst s2  }
0x8f: {  	_ = 	snop  }
0x90: {  	s2 =	sld [smem:$0x3FD0];
	(tm) =	ssettm $0x1  }
0x91: {  	s18 =	sld [smem:$0x3FFB];
	_ =	sdelay $0x3  }
0x92: {  	_ =	strace s18  }
0x93: {  	s3 =	sld [smem:$0x3FFC];
	_ =	sdelay $0x3  }
0x94: {  	_ =	strace s3  }
0x95: {  	s3 =	sld [smem:$0x3FFD];
	_ =	sdelay $0x3  }
0x96: {  	_ =	strace s3  }
0x97: {  	_ =	strace $0x8FFFFFFF  }
0x98: {  	s19 =	sld [smem:$0x3FDB];
	_ =	sdelay $0x1  }
0x99: {  	s4 =	simm.s32 $_scs_section_size  }
0x9a: {  	s5 =	simm.s32 $_size__tile_overlayer_lowered;
	s6 =	simm.s32 $_tile_overlayer_lowered  }
0x9b: {  	s22 =	simm.s32 $0x1BFF;
	s21 =	sshll.u32 s6, $0x1;
	s3 =	sadd.s32 s4, s19  }
0x9c: {  	s7 =	simm.s32 $0x0;
	s20 =	sshll.u32 s5, $0x1;
	s5 =	sadd.s32 s21, s3  }
0x9d: {  	[timem:s7], [sflag:s22] =	dma.local [hbm:s5], s20  }
0x9e: {  	_ =	swait.ge [sflag:s22], s20  }
0x9f: {  	s4 =	ssub.s32 $0x0, s20;
	[sflag:s22] =	ssyncset.done $0x0  }
0xa0: {  	[sflag:s22] =	ssyncadd.s32 s4;
	_ =	sdelay $0x1  }
0xa1: {  	s23 =	simm.s32 $0x1B8B  }
0xa2: {  	_ =	swait.ge [sflag:s23], $0x1  }
0xa3: {  	[sflag:s23] =	ssyncset.done $0x0  }
0xa4: {  	s25 =	simm.s32 $0x1B8E;
	s24 =	sld [smem:$0x3FFE];
	[sflag:s23] =	ssyncadd.s32 $0xFFFFFFFF  }
0xa5: {  	s26 =	simm.s32 $execute0_lowered;
	[smem:$0x3FD2] =	sst s25  }
0xa6: {  	s5 =	sshll.u32 s26, $0x1;
	_ =	strace $0x80000046;
	[dreg:$0x1] =	wrdreg $0xFFFFFFFF  }
0xa7: {  	s28 =	simm.s32 $_size_execute0_lowered;
	s3 =	sadd.s32 s3, s5;
	[dreg:$0x0] =	wrdreg $0x0  }
0xa8: {  	s5 =	sshll.u32 s28, $0x1;
	[dreg:$0x2] =	wrdreg s3  }
0xa9: {  	[dreg:$0x3] =	wrdreg s5  }
0xaa: {  	[dreg:$0x4] =	wrdreg $0xC0  }
0xab: {  	_ =	task [dreg:s7], $0x5FFFF  }
0xac: {  	[dreg:$0x1] =	wrdreg $0xFFFFFFFF  }
0xad: {  	[dreg:$0x0] =	wrdreg $0x60  }
0xae: {  	[dreg:$0x2] =	wrdreg s24  }
0xaf: {  	[dreg:$0x3] =	wrdreg s2  }
0xb0: {  	[dreg:$0x4] =	wrdreg $0x9  }
0xb1: {  	_ =	task.clear_ibuf [dreg:s7], $0x5FFFF;
	_ =	strace $0x90000046  }
0xb2: {  	s29 =	simm.s32 $0x9;
	_ =	strace $0x80000048  }
0xb3: {  	_ =	swait.ge [sflag:s29], $0x1  }
0xb4: {  	[sflag:s29] =	ssyncadd.s32 $0xFFFFFFFF  }
0xb5: {  	_ =	strace $0x90000048  }
0xb6: {  	_ =	sfence  }
0xb7: {  	s30 =	sld [smem:$0x0];
	_ =	sdelay $0x2  }
0xb8: {  	s31 =	sshll.u32 s1, $0xD;
	s1 =	sshrl.u32 s1, $0x2  }
0xb9: {  	s3 =	sand.u32 $0x4000, s31;
	s1 =	sadd.s32 s1, s30  }
0xba: {  	s0 =	sor.u32 s3, s0;
	s1 =	sshll.u32 s1, $0x11  }
0xbb: {  	s0 =	sor.u32 s1, s0  }
0xbc: {  	s0 =	sadd.s32 $0x8F2B, s0  }
0xbd: {  	[sflag:s0] =	ssyncadd.remote.s32 $0x1  }
0xbe: {  	_ =	sfence.sel $0xFFFF  }
0xbf: {  	[dreg:$0x0] =	wrdreg $0xFFFFFFFF;
	(pc) =	sbr.abs _section_cstart, $3  }
0xc0: {  	[dreg:$0x1] =	wrdreg $0xFFFFFFFF  }
0xc1: {  	_ =	task.clear_ibuf [dreg:s7], $0x2FFFF;
	_ =	strace $0x9FFFFFFF  }
0xc2: {  	(tm) =	ssettm $0x7FFFFFFF  }
0xc3: {  	_ =	shalt  }
tec
execute0_lowered:
.L_overlay_start_1:
0x0: {  	(tag) =	ssettag $0x1  }
0x1: {  	s0 =	srdreg.scid;
	s1 =	rddreg [dreg:$0x0]  }
0x2: {  	s2 =	stileid.u32;
	s5 =	rddreg [dreg:$0x1]  }
0x3: {  	s8 =	simm.s32 $0x64;
	s12 =	simm.s32 $0xD0;
	s13 =	simm.s32 $0x9A00  }
0x4: {  	s14 =	simm.s32 $0x138;
	s15 =	simm.s32 $0xB300;
	s16 =	simm.s32 $0x1A0  }
0x5: {  	s17 =	simm.s32 $0xCC00;
	s18 =	simm.s32 $0x208;
	s19 =	simm.s32 $0xE500  }
0x6: {  	s20 =	simm.s32 $0x270;
	s21 =	simm.s32 $0xFE00;
	s22 =	simm.s32 $0x2D8  }
0x7: {  	s23 =	simm.s32 $0x11700;
	s24 =	simm.s32 $0x1;
	s25 =	simm.s32 $0x2  }
0x8: {  	s26 =	simm.s32 $0x3;
	s28 =	simm.s32 $0x4;
	s29 =	simm.s32 $0x13000  }
0x9: {  	s30 =	simm.s32 $0x0;
	s0 =	sand.u32 $0x1, s0;
	s2 =	sshll.u32 s2, $0x1  }
0xa: {  	s4 =	sor.u32 s0, s2;
	s2 =	simm.s32 $0x0;
	s0 =	ssub.s32 $0x2, s0  }
0xb: {  	s3 =	smul.u32 $0xD00, s4;
	[smem:$0x7FF] =	sst s2;
	s31 =	sshrl.u32 s0, $0x1  }
0xc: {  	s7 =	sshll.u32 s4, $0xA;
	_ =	strace $0x80000047;
	s0 =	ssub.s32 s0, s31  }
0xd: {  	s5 =	sadd.s32 s5, s7;
	s7 =	simm.s32 $0x5;
	s6 =	sadd.s32 s3, s1  }
0xe: {  	s3 =	sadd.s32 $0x1AC00, s1;
	s4 =	sadd.s32 $0xC00, s6;
	s6 =	smax.u32 s0, $0x1  }
.LBB2_1:
0xf: {  	[tilespmem:s2], [sflag:$0x5] =	stream.linear.gather [hbm4b:s4+s2], $0x6800, $0x38;
	[tilespmem:$0x15000] =	vst v63  }
0x10: {  	_ =	swait.ge [sflag:s7], $0x6800  }
0x11: {  	[sflag:s7] =	ssyncset.done $0x0  }
0x12: {  	s0 =	simm.s32 $0x6800;
	[sflag:s7] =	ssyncadd.s32 $0xFFFF9800  }
0x13: {  	[tilespmem:s0], [sflag:$0x1] =	stream.indirect.gather [hbm4b:s3+s8], $0x40, s2, s8, $0xb8;
	[tilespmem:$0x15000] =	vst v63  }
0x14: {  	s11 =	simm.s32 $0x68;
	s1 =	simm.s32 $0x8100  }
0x15: {  	[tilespmem:s1], [sflag:$0x1] =	stream.indirect.gather [hbm4b:s3+s8], $0x40, s11, s8, $0xb8;
	[tilespmem:$0x15000] =	vst v63  }
0x16: {  	_ = 	snop  }
0x17: {  	[tilespmem:s13], [sflag:$0x2] =	stream.indirect.gather [hbm4b:s3+s8], $0x40, s12, s8, $0xb8;
	[tilespmem:$0x15000] =	vst v63  }
0x18: {  	_ = 	snop  }
0x19: {  	[tilespmem:s15], [sflag:$0x2] =	stream.indirect.gather [hbm4b:s3+s8], $0x40, s14, s8, $0xb8;
	[tilespmem:$0x15000] =	vst v63  }
0x1a: {  	_ = 	snop  }
0x1b: {  	[tilespmem:s17], [sflag:$0x3] =	stream.indirect.gather [hbm4b:s3+s8], $0x40, s16, s8, $0xb8;
	[tilespmem:$0x15000] =	vst v63  }
0x1c: {  	_ = 	snop  }
0x1d: {  	[tilespmem:s19], [sflag:$0x3] =	stream.indirect.gather [hbm4b:s3+s8], $0x40, s18, s8, $0xb8;
	[tilespmem:$0x15000] =	vst v63  }
0x1e: {  	_ = 	snop  }
0x1f: {  	[tilespmem:s21], [sflag:$0x4] =	stream.indirect.gather [hbm4b:s3+s8], $0x40, s20, s8, $0xb8;
	[tilespmem:$0x15000] =	vst v63  }
0x20: {  	s31 =	simm.s32 $0x0  }
0x21: {  	[tilespmem:s23], [sflag:$0x4] =	stream.indirect.gather [hbm4b:s3+s8], $0x40, s22, s8, $0xb8;
	[tilespmem:$0x15000] =	vst v63  }
.LBB2_2:
0x22: {  	_ =	swait.ge [sflag:s24], $0x1900  }
0x23: {  	p0 =	seq.s32 s31, $0x1F;
	[sflag:s24] =	ssyncset.done $0x0  }
0x24: {  	s0 =	smul.u32 @!p0 $0xD00, s31;
	[sflag:s24] =	ssyncadd.s32 $0xFFFFE700  }
0x25: {  	_ =	swait.ge [sflag:s24], $0x1900  }
0x26: {  	s9 =	simm.s32 @!p0 $0x64;
	s0 =	sshra.s32 @!p0 s0, $0x2;
	[sflag:s24] =	ssyncset.done $0x0  }
0x27: {  	s10 =	simm.s32 @!p0 $0x6800;
	s1 =	sadd.s32 @!p0 $0x340, s0;
	[sflag:s24] =	ssyncadd.s32 $0xFFFFE700  }
0x28: {  	[tilespmem:s10], [sflag:$0x1] =	stream.indirect.gather @!p0 [hbm4b:s3+s9], $0x40, s1, s9, $0xb8;
	[tilespmem:$0x15000] =	vst v63  }
0x29: {  	s1 =	sadd.s32 @!p0 $0x3A8, s0;
	s10 =	simm.s32 @!p0 $0x8100  }
0x2a: {  	[tilespmem:s10], [sflag:$0x1] =	stream.indirect.gather @!p0 [hbm4b:s3+s9], $0x40, s1, s9, $0xb8;
	[tilespmem:$0x15000] =	vst v63  }
0x2b: {  	s1 =	simm.s32 $0x80  }
0x2c: {  	v0 =	vld [tilespmem:s1+$0x8140]  }
0x2d: {  	v1 =	vld [tilespmem:s1+$0x8150]  }
0x2e: {  	v2 =	vld [tilespmem:s1+$0x8100]  }
0x2f: {  	v3 =	vld [tilespmem:s1+$0x8110]  }
0x30: {  	v4 =	vld [tilespmem:s1+$0x80C0]  }
0x31: {  	v5 =	vld [tilespmem:s1+$0x80D0]  }
0x32: {  	v6 =	vld [tilespmem:s1+$0x8080]  }
0x33: {  	v7 =	vld [tilespmem:s1+$0x8090]  }
0x34: {  	v9 =	vld [tilespmem:s1+$0x6840]  }
0x35: {  	v8 =	vld [tilespmem:s1+$0x6850]  }
0x36: {  	v11 =	vld [tilespmem:s1+$0x6800]  }
0x37: {  	v10 =	vld [tilespmem:s1+$0x6810]  }
0x38: {  	v17 =	vld [tilespmem:s1+$0x67C0]  }
0x39: {  	v16 =	vld [tilespmem:s1+$0x67D0]  }
0x3a: {  	v19 =	vld [tilespmem:s1+$0x6780]  }
0x3b: {  	v12 =	vimm.f32 $0.0e+00;
	v20 =	vld [tilespmem:s1+$0x6790]  }
0x3c: {  	v15 =	vimm.f32 $0.0e+00;
	v14 =	vimm.f32 $0.0e+00;
	v13 =	vimm.f32 $0.0e+00;
	s9 =	simm.s32 $0x600;
	v18 =	vld [tilespmem:s1+$0x67A0]  }
.LBB2_3:
0x3d: {  	p1 =	sne.s32 s9, $0x6200;
	v21 =	vld [tilespmem:s1+$0x67B0]  }
0x3e: {  	v22 =	vld [tilespmem:s1+$0x67E0]  }
0x3f: {  	v23 =	vld [tilespmem:s1+$0x67F0]  }
0x40: {  	v24 =	vld [tilespmem:s1+$0x6820]  }
0x41: {  	v12 =	vadd.f32 v19, v12;
	v15 =	vadd.f32 v20, v15;
	v19 =	vld [tilespmem:s1+$0x6830]  }
0x42: {  	v14 =	vadd.f32 v18, v14;
	v13 =	vadd.f32 v21, v13;
	v18 =	vld [tilespmem:s1+$0x6860]  }
0x43: {  	v12 =	vadd.f32 v17, v12;
	v15 =	vadd.f32 v16, v15;
	v16 =	vld [tilespmem:s1+$0x6870]  }
0x44: {  	v14 =	vadd.f32 v22, v14;
	v13 =	vadd.f32 v23, v13;
	v17 =	vld [tilespmem:s1+$0x80A0]  }
0x45: {  	v11 =	vadd.f32 v11, v12;
	v10 =	vadd.f32 v10, v15;
	v12 =	vld [tilespmem:s1+$0x80B0]  }
0x46: {  	v14 =	vadd.f32 v24, v14;
	v13 =	vadd.f32 v19, v13;
	v15 =	vld [tilespmem:s1+$0x80E0]  }
0x47: {  	v9 =	vadd.f32 v9, v11;
	v8 =	vadd.f32 v8, v10;
	v10 =	vld [tilespmem:s1+$0x80F0]  }
0x48: {  	v11 =	vadd.f32 v18, v14;
	v13 =	vadd.f32 v16, v13;
	v14 =	vld [tilespmem:s1+$0x8120]  }
0x49: {  	v6 =	vadd.f32 v6, v9;
	v7 =	vadd.f32 v7, v8;
	v8 =	vld [tilespmem:s1+$0x8130]  }
0x4a: {  	v9 =	vadd.f32 v17, v11;
	v11 =	vadd.f32 v12, v13;
	v13 =	vld [tilespmem:s1+$0x8160]  }
0x4b: {  	v4 =	vadd.f32 v4, v6;
	v5 =	vadd.f32 v5, v7;
	v6 =	vld [tilespmem:s1+$0x8170];
	s1 =	sshra.s32 s9, $0x2  }
0x4c: {  	v9 =	vadd.f32 v15, v9;
	v7 =	vld [tilespmem:s1+$0x8140];
	v10 =	vadd.f32 v10, v11  }
0x4d: {  	v4 =	vadd.f32 v2, v4;
	v5 =	vadd.f32 v3, v5;
	v11 =	vld [tilespmem:s1+$0x8150]  }
0x4e: {  	v9 =	vadd.f32 v14, v9;
	v2 =	vld [tilespmem:s1+$0x8100];
	v8 =	vadd.f32 v8, v10  }
0x4f: {  	v12 =	vadd.f32 v0, v4;
	v15 =	vadd.f32 v1, v5;
	v3 =	vld [tilespmem:s1+$0x8110]  }
0x50: {  	v14 =	vadd.f32 v13, v9;
	v4 =	vld [tilespmem:s1+$0x80C0];
	v13 =	vadd.f32 v6, v8  }
0x51: {  	v5 =	vld [tilespmem:s1+$0x80D0];
	v0 =	vmov v7  }
0x52: {  	v6 =	vld [tilespmem:s1+$0x8080];
	v1 =	vmov v11  }
0x53: {  	v7 =	vld [tilespmem:s1+$0x8090]  }
0x54: {  	v9 =	vld [tilespmem:s1+$0x6840]  }
0x55: {  	v8 =	vld [tilespmem:s1+$0x6850]  }
0x56: {  	v11 =	vld [tilespmem:s1+$0x6800]  }
0x57: {  	v10 =	vld [tilespmem:s1+$0x6810]  }
.Ltmp0:
0x58: {  	v17 =	vld [tilespmem:s1+$0x67C0];
	(pc) =	sbr.rel @p1 .LBB2_3-.Ltmp0, $4  }
0x59: {  	v16 =	vld [tilespmem:s1+$0x67D0]  }
0x5a: {  	v19 =	vld [tilespmem:s1+$0x6780]  }
0x5b: {  	v20 =	vld [tilespmem:s1+$0x6790]  }
0x5c: {  	s9 =	sadd.s32 $0x400, s9;
	v18 =	vld [tilespmem:s1+$0x67A0]  }
0x5d: {  	v21 =	vld [tilespmem:s1+$0x67B0]  }
0x5e: {  	v22 =	vld [tilespmem:s1+$0x67E0]  }
0x5f: {  	v23 =	vld [tilespmem:s1+$0x67F0];
	v12 =	vadd.f32 v19, v12  }
0x60: {  	v19 =	vld [tilespmem:s1+$0x6820];
	v15 =	vadd.f32 v20, v15  }
0x61: {  	v20 =	vld [tilespmem:s1+$0x6830];
	v14 =	vadd.f32 v18, v14;
	v12 =	vadd.f32 v17, v12  }
0x62: {  	v17 =	vld [tilespmem:s1+$0x6860];
	v13 =	vadd.f32 v21, v13;
	v15 =	vadd.f32 v16, v15  }
0x63: {  	v16 =	vld [tilespmem:s1+$0x6870];
	v14 =	vadd.f32 v22, v14;
	v11 =	vadd.f32 v11, v12  }
0x64: {  	v12 =	vadd.f32 v23, v13;
	v13 =	vld [tilespmem:s1+$0x80A0];
	v10 =	vadd.f32 v10, v15  }
0x65: {  	v15 =	vld [tilespmem:s1+$0x80B0];
	v14 =	vadd.f32 v19, v14;
	v9 =	vadd.f32 v9, v11  }
0x66: {  	v11 =	vadd.f32 v20, v12;
	v12 =	vld [tilespmem:s1+$0x80E0];
	v8 =	vadd.f32 v8, v10  }
0x67: {  	v10 =	vld [tilespmem:s1+$0x80F0];
	v14 =	vadd.f32 v17, v14;
	v6 =	vadd.f32 v6, v9  }
0x68: {  	v9 =	vadd.f32 v16, v11;
	v11 =	vld [tilespmem:s1+$0x8120];
	v7 =	vadd.f32 v7, v8  }
0x69: {  	v8 =	vld [tilespmem:s1+$0x8130];
	v13 =	vadd.f32 v13, v14;
	v4 =	vadd.f32 v4, v6  }
0x6a: {  	v6 =	vadd.f32 v15, v9;
	v9 =	vld [tilespmem:s1+$0x8160];
	v5 =	vadd.f32 v5, v7  }
0x6b: {  	v7 =	vld [tilespmem:s1+$0x8170];
	v12 =	vadd.f32 v12, v13;
	v2 =	vadd.f32 v2, v4  }
0x6c: {  	v4 =	vadd.f32 v10, v6;
	v3 =	vadd.f32 v3, v5  }
0x6d: {  	s11 =	sshll.u32 s31, $0x8;
	v5 =	vadd.f32 v11, v12;
	v0 =	vadd.f32 v0, v2  }
0x6e: {  	s1 =	sand.u32 $0x3FFFFF00, s11;
	v2 =	vadd.f32 v8, v4;
	v1 =	vadd.f32 v1, v3  }
0x6f: {  	v3 =	vadd.f32 v9, v5;
	[tilespmem:s1+$0x13000] =	vst v0  }
0x70: {  	v0 =	vadd.f32 v7, v2;
	[tilespmem:s1+$0x13010] =	vst v1  }
0x71: {  	[tilespmem:s1+$0x13020] =	vst v3  }
0x72: {  	[tilespmem:s1+$0x13030] =	vst v0  }
0x73: {  	_ =	swait.ge [sflag:s25], $0x1900  }
0x74: {  	[sflag:s25] =	ssyncset.done $0x0  }
0x75: {  	[sflag:s25] =	ssyncadd.s32 $0xFFFFE700  }
0x76: {  	_ =	swait.ge [sflag:s25], $0x1900  }
0x77: {  	s9 =	sadd.s32 @!p0 $0x410, s0;
	[sflag:s25] =	ssyncset.done $0x0  }
0x78: {  	s10 =	simm.s32 @!p0 $0x64;
	s11 =	simm.s32 @!p0 $0x9A00;
	[sflag:s25] =	ssyncadd.s32 $0xFFFFE700  }
0x79: {  	[tilespmem:s11], [sflag:$0x2] =	stream.indirect.gather @!p0 [hbm4b:s3+s10], $0x40, s9, s10, $0xb8;
	[tilespmem:$0x15000] =	vst v63  }
0x7a: {  	s9 =	sadd.s32 @!p0 $0x478, s0;
	s11 =	simm.s32 @!p0 $0xB300  }
0x7b: {  	[tilespmem:s11], [sflag:$0x2] =	stream.indirect.gather @!p0 [hbm4b:s3+s10], $0x40, s9, s10, $0xb8;
	[tilespmem:$0x15000] =	vst v63  }
0x7c: {  	s9 =	simm.s32 $0x0  }
0x7d: {  	v0 =	vld [tilespmem:s9+$0xB3C0]  }
0x7e: {  	v1 =	vld [tilespmem:s9+$0xB3D0]  }
0x7f: {  	v2 =	vld [tilespmem:s9+$0xB380]  }
0x80: {  	v3 =	vld [tilespmem:s9+$0xB390]  }
0x81: {  	v4 =	vld [tilespmem:s9+$0xB340]  }
0x82: {  	v5 =	vld [tilespmem:s9+$0xB350]  }
0x83: {  	v6 =	vld [tilespmem:s9+$0xB300]  }
0x84: {  	v7 =	vld [tilespmem:s9+$0xB310]  }
0x85: {  	v9 =	vld [tilespmem:s9+$0x9AC0]  }
0x86: {  	v8 =	vld [tilespmem:s9+$0x9AD0]  }
0x87: {  	v11 =	vld [tilespmem:s9+$0x9A80]  }
0x88: {  	v10 =	vld [tilespmem:s9+$0x9A90]  }
0x89: {  	v17 =	vld [tilespmem:s9+$0x9A40]  }
0x8a: {  	v16 =	vld [tilespmem:s9+$0x9A50]  }
0x8b: {  	v19 =	vld [tilespmem:s9+$0x9A00]  }
0x8c: {  	v14 =	vimm.f32 $0.0e+00;
	v20 =	vld [tilespmem:s9+$0x9A10]  }
0x8d: {  	v15 =	vimm.f32 $0.0e+00;
	v13 =	vimm.f32 $0.0e+00;
	v12 =	vimm.f32 $0.0e+00;
	s10 =	simm.s32 $0x400;
	v18 =	vld [tilespmem:s9+$0x9A20]  }
.LBB2_5:
0x8e: {  	p1 =	sne.s32 s10, $0x6000;
	v21 =	vld [tilespmem:s9+$0x9A30]  }
0x8f: {  	v22 =	vld [tilespmem:s9+$0x9A60]  }
0x90: {  	v23 =	vld [tilespmem:s9+$0x9A70]  }
0x91: {  	v24 =	vld [tilespmem:s9+$0x9AA0]  }
0x92: {  	v12 =	vadd.f32 v19, v12;
	v15 =	vadd.f32 v20, v15;
	v19 =	vld [tilespmem:s9+$0x9AB0]  }
0x93: {  	v14 =	vadd.f32 v18, v14;
	v13 =	vadd.f32 v21, v13;
	v18 =	vld [tilespmem:s9+$0x9AE0]  }
0x94: {  	v12 =	vadd.f32 v17, v12;
	v15 =	vadd.f32 v16, v15;
	v16 =	vld [tilespmem:s9+$0x9AF0]  }
0x95: {  	v14 =	vadd.f32 v22, v14;
	v13 =	vadd.f32 v23, v13;
	v17 =	vld [tilespmem:s9+$0xB320]  }
0x96: {  	v11 =	vadd.f32 v11, v12;
	v10 =	vadd.f32 v10, v15;
	v12 =	vld [tilespmem:s9+$0xB330]  }
0x97: {  	v14 =	vadd.f32 v24, v14;
	v13 =	vadd.f32 v19, v13;
	v15 =	vld [tilespmem:s9+$0xB360]  }
0x98: {  	v9 =	vadd.f32 v9, v11;
	v8 =	vadd.f32 v8, v10;
	v10 =	vld [tilespmem:s9+$0xB370]  }
0x99: {  	v11 =	vadd.f32 v18, v14;
	v13 =	vadd.f32 v16, v13;
	v14 =	vld [tilespmem:s9+$0xB3A0]  }
0x9a: {  	v6 =	vadd.f32 v6, v9;
	v7 =	vadd.f32 v7, v8;
	v8 =	vld [tilespmem:s9+$0xB3B0]  }
0x9b: {  	v9 =	vadd.f32 v17, v11;
	v11 =	vadd.f32 v12, v13;
	v13 =	vld [tilespmem:s9+$0xB3E0]  }
0x9c: {  	v4 =	vadd.f32 v4, v6;
	v5 =	vadd.f32 v5, v7;
	v6 =	vld [tilespmem:s9+$0xB3F0];
	s9 =	sshra.s32 s10, $0x2  }
0x9d: {  	v9 =	vadd.f32 v15, v9;
	v7 =	vld [tilespmem:s9+$0xB3C0];
	v10 =	vadd.f32 v10, v11  }
0x9e: {  	v4 =	vadd.f32 v2, v4;
	v5 =	vadd.f32 v3, v5;
	v11 =	vld [tilespmem:s9+$0xB3D0]  }
0x9f: {  	v9 =	vadd.f32 v14, v9;
	v2 =	vld [tilespmem:s9+$0xB380];
	v8 =	vadd.f32 v8, v10  }
0xa0: {  	v12 =	vadd.f32 v0, v4;
	v15 =	vadd.f32 v1, v5;
	v3 =	vld [tilespmem:s9+$0xB390]  }
0xa1: {  	v14 =	vadd.f32 v13, v9;
	v4 =	vld [tilespmem:s9+$0xB340];
	v13 =	vadd.f32 v6, v8  }
0xa2: {  	v5 =	vld [tilespmem:s9+$0xB350];
	v0 =	vmov v7  }
0xa3: {  	v6 =	vld [tilespmem:s9+$0xB300];
	v1 =	vmov v11  }
0xa4: {  	v7 =	vld [tilespmem:s9+$0xB310]  }
0xa5: {  	v9 =	vld [tilespmem:s9+$0x9AC0]  }
0xa6: {  	v8 =	vld [tilespmem:s9+$0x9AD0]  }
0xa7: {  	v11 =	vld [tilespmem:s9+$0x9A80]  }
0xa8: {  	v10 =	vld [tilespmem:s9+$0x9A90]  }
.Ltmp1:
0xa9: {  	v17 =	vld [tilespmem:s9+$0x9A40];
	(pc) =	sbr.rel @p1 .LBB2_5-.Ltmp1, $4  }
0xaa: {  	v16 =	vld [tilespmem:s9+$0x9A50]  }
0xab: {  	v19 =	vld [tilespmem:s9+$0x9A00]  }
0xac: {  	v20 =	vld [tilespmem:s9+$0x9A10]  }
0xad: {  	s10 =	sadd.s32 $0x400, s10;
	v18 =	vld [tilespmem:s9+$0x9A20]  }
0xae: {  	v21 =	vld [tilespmem:s9+$0x9A30]  }
0xaf: {  	v22 =	vld [tilespmem:s9+$0x9A60]  }
0xb0: {  	v23 =	vld [tilespmem:s9+$0x9A70];
	v12 =	vadd.f32 v19, v12  }
0xb1: {  	v19 =	vld [tilespmem:s9+$0x9AA0];
	v15 =	vadd.f32 v20, v15  }
0xb2: {  	v20 =	vld [tilespmem:s9+$0x9AB0];
	v14 =	vadd.f32 v18, v14;
	v12 =	vadd.f32 v17, v12  }
0xb3: {  	v17 =	vld [tilespmem:s9+$0x9AE0];
	v13 =	vadd.f32 v21, v13;
	v15 =	vadd.f32 v16, v15  }
0xb4: {  	v16 =	vld [tilespmem:s9+$0x9AF0];
	v14 =	vadd.f32 v22, v14;
	v11 =	vadd.f32 v11, v12  }
0xb5: {  	v12 =	vadd.f32 v23, v13;
	v13 =	vld [tilespmem:s9+$0xB320];
	v10 =	vadd.f32 v10, v15  }
0xb6: {  	v15 =	vld [tilespmem:s9+$0xB330];
	v14 =	vadd.f32 v19, v14;
	v9 =	vadd.f32 v9, v11  }
0xb7: {  	v11 =	vadd.f32 v20, v12;
	v12 =	vld [tilespmem:s9+$0xB360];
	v8 =	vadd.f32 v8, v10  }
0xb8: {  	v10 =	vld [tilespmem:s9+$0xB370];
	v14 =	vadd.f32 v17, v14;
	v6 =	vadd.f32 v6, v9  }
0xb9: {  	v9 =	vadd.f32 v16, v11;
	v11 =	vld [tilespmem:s9+$0xB3A0];
	v7 =	vadd.f32 v7, v8  }
0xba: {  	v8 =	vld [tilespmem:s9+$0xB3B0];
	v13 =	vadd.f32 v13, v14;
	v4 =	vadd.f32 v4, v6  }
0xbb: {  	v6 =	vadd.f32 v15, v9;
	v9 =	vld [tilespmem:s9+$0xB3E0];
	v5 =	vadd.f32 v5, v7  }
0xbc: {  	v7 =	vld [tilespmem:s9+$0xB3F0];
	v12 =	vadd.f32 v12, v13;
	v2 =	vadd.f32 v2, v4  }
0xbd: {  	v4 =	vadd.f32 v10, v6;
	v3 =	vadd.f32 v3, v5  }
0xbe: {  	v5 =	vadd.f32 v11, v12;
	v0 =	vadd.f32 v0, v2  }
0xbf: {  	v2 =	vadd.f32 v8, v4;
	v1 =	vadd.f32 v1, v3  }
0xc0: {  	v3 =	vadd.f32 v9, v5;
	[tilespmem:s1+$0x13040] =	vst v0  }
0xc1: {  	v0 =	vadd.f32 v7, v2;
	[tilespmem:s1+$0x13050] =	vst v1  }
0xc2: {  	[tilespmem:s1+$0x13060] =	vst v3  }
0xc3: {  	[tilespmem:s1+$0x13070] =	vst v0  }
0xc4: {  	_ =	swait.ge [sflag:s26], $0x1900  }
0xc5: {  	[sflag:s26] =	ssyncset.done $0x0  }
0xc6: {  	[sflag:s26] =	ssyncadd.s32 $0xFFFFE700  }
0xc7: {  	_ =	swait.ge [sflag:s26], $0x1900  }
0xc8: {  	s10 =	simm.s32 @!p0 $0x64;
	[sflag:s26] =	ssyncset.done $0x0  }
0xc9: {  	s11 =	simm.s32 @!p0 $0xCC00;
	s9 =	sadd.s32 @!p0 $0x4E0, s0;
	[sflag:s26] =	ssyncadd.s32 $0xFFFFE700  }
0xca: {  	[tilespmem:s11], [sflag:$0x3] =	stream.indirect.gather @!p0 [hbm4b:s3+s10], $0x40, s9, s10, $0xb8;
	[tilespmem:$0x15000] =	vst v63  }
0xcb: {  	s9 =	sadd.s32 @!p0 $0x548, s0;
	s11 =	simm.s32 @!p0 $0xE500  }
0xcc: {  	[tilespmem:s11], [sflag:$0x3] =	stream.indirect.gather @!p0 [hbm4b:s3+s10], $0x40, s9, s10, $0xb8;
	[tilespmem:$0x15000] =	vst v63  }
0xcd: {  	s9 =	simm.s32 $0x0  }
0xce: {  	v0 =	vld [tilespmem:s9+$0xE5C0]  }
0xcf: {  	v1 =	vld [tilespmem:s9+$0xE5D0]  }
0xd0: {  	v2 =	vld [tilespmem:s9+$0xE580]  }
0xd1: {  	v3 =	vld [tilespmem:s9+$0xE590]  }
0xd2: {  	v4 =	vld [tilespmem:s9+$0xE540]  }
0xd3: {  	v5 =	vld [tilespmem:s9+$0xE550]  }
0xd4: {  	v6 =	vld [tilespmem:s9+$0xE500]  }
0xd5: {  	v7 =	vld [tilespmem:s9+$0xE510]  }
0xd6: {  	v9 =	vld [tilespmem:s9+$0xCCC0]  }
0xd7: {  	v8 =	vld [tilespmem:s9+$0xCCD0]  }
0xd8: {  	v11 =	vld [tilespmem:s9+$0xCC80]  }
0xd9: {  	v10 =	vld [tilespmem:s9+$0xCC90]  }
0xda: {  	v17 =	vld [tilespmem:s9+$0xCC40]  }
0xdb: {  	v16 =	vld [tilespmem:s9+$0xCC50]  }
0xdc: {  	v19 =	vld [tilespmem:s9+$0xCC00]  }
0xdd: {  	v14 =	vimm.f32 $0.0e+00;
	v20 =	vld [tilespmem:s9+$0xCC10]  }
0xde: {  	v15 =	vimm.f32 $0.0e+00;
	v13 =	vimm.f32 $0.0e+00;
	v12 =	vimm.f32 $0.0e+00;
	s10 =	simm.s32 $0x400;
	v18 =	vld [tilespmem:s9+$0xCC20]  }
.LBB2_7:
0xdf: {  	p1 =	sne.s32 s10, $0x6000;
	v21 =	vld [tilespmem:s9+$0xCC30]  }
0xe0: {  	v22 =	vld [tilespmem:s9+$0xCC60]  }
0xe1: {  	v23 =	vld [tilespmem:s9+$0xCC70]  }
0xe2: {  	v24 =	vld [tilespmem:s9+$0xCCA0]  }
0xe3: {  	v12 =	vadd.f32 v19, v12;
	v15 =	vadd.f32 v20, v15;
	v19 =	vld [tilespmem:s9+$0xCCB0]  }
0xe4: {  	v14 =	vadd.f32 v18, v14;
	v13 =	vadd.f32 v21, v13;
	v18 =	vld [tilespmem:s9+$0xCCE0]  }
0xe5: {  	v12 =	vadd.f32 v17, v12;
	v15 =	vadd.f32 v16, v15;
	v16 =	vld [tilespmem:s9+$0xCCF0]  }
0xe6: {  	v14 =	vadd.f32 v22, v14;
	v13 =	vadd.f32 v23, v13;
	v17 =	vld [tilespmem:s9+$0xE520]  }
0xe7: {  	v11 =	vadd.f32 v11, v12;
	v10 =	vadd.f32 v10, v15;
	v12 =	vld [tilespmem:s9+$0xE530]  }
0xe8: {  	v14 =	vadd.f32 v24, v14;
	v13 =	vadd.f32 v19, v13;
	v15 =	vld [tilespmem:s9+$0xE560]  }
0xe9: {  	v9 =	vadd.f32 v9, v11;
	v8 =	vadd.f32 v8, v10;
	v10 =	vld [tilespmem:s9+$0xE570]  }
0xea: {  	v11 =	vadd.f32 v18, v14;
	v13 =	vadd.f32 v16, v13;
	v14 =	vld [tilespmem:s9+$0xE5A0]  }
0xeb: {  	v6 =	vadd.f32 v6, v9;
	v7 =	vadd.f32 v7, v8;
	v8 =	vld [tilespmem:s9+$0xE5B0]  }
0xec: {  	v9 =	vadd.f32 v17, v11;
	v11 =	vadd.f32 v12, v13;
	v13 =	vld [tilespmem:s9+$0xE5E0]  }
0xed: {  	v4 =	vadd.f32 v4, v6;
	v5 =	vadd.f32 v5, v7;
	v6 =	vld [tilespmem:s9+$0xE5F0];
	s9 =	sshra.s32 s10, $0x2  }
0xee: {  	v9 =	vadd.f32 v15, v9;
	v7 =	vld [tilespmem:s9+$0xE5C0];
	v10 =	vadd.f32 v10, v11  }
0xef: {  	v4 =	vadd.f32 v2, v4;
	v5 =	vadd.f32 v3, v5;
	v11 =	vld [tilespmem:s9+$0xE5D0]  }
0xf0: {  	v9 =	vadd.f32 v14, v9;
	v2 =	vld [tilespmem:s9+$0xE580];
	v8 =	vadd.f32 v8, v10  }
0xf1: {  	v12 =	vadd.f32 v0, v4;
	v15 =	vadd.f32 v1, v5;
	v3 =	vld [tilespmem:s9+$0xE590]  }
0xf2: {  	v14 =	vadd.f32 v13, v9;
	v4 =	vld [tilespmem:s9+$0xE540];
	v13 =	vadd.f32 v6, v8  }
0xf3: {  	v5 =	vld [tilespmem:s9+$0xE550];
	v0 =	vmov v7  }
0xf4: {  	v6 =	vld [tilespmem:s9+$0xE500];
	v1 =	vmov v11  }
0xf5: {  	v7 =	vld [tilespmem:s9+$0xE510]  }
0xf6: {  	v9 =	vld [tilespmem:s9+$0xCCC0]  }
0xf7: {  	v8 =	vld [tilespmem:s9+$0xCCD0]  }
0xf8: {  	v11 =	vld [tilespmem:s9+$0xCC80]  }
0xf9: {  	v10 =	vld [tilespmem:s9+$0xCC90]  }
.Ltmp2:
0xfa: {  	v17 =	vld [tilespmem:s9+$0xCC40];
	(pc) =	sbr.rel @p1 .LBB2_7-.Ltmp2, $4  }
0xfb: {  	v16 =	vld [tilespmem:s9+$0xCC50]  }
0xfc: {  	v19 =	vld [tilespmem:s9+$0xCC00]  }
0xfd: {  	v20 =	vld [tilespmem:s9+$0xCC10]  }
0xfe: {  	s10 =	sadd.s32 $0x400, s10;
	v18 =	vld [tilespmem:s9+$0xCC20]  }
0xff: {  	v21 =	vld [tilespmem:s9+$0xCC30]  }
0x100: {  	v22 =	vld [tilespmem:s9+$0xCC60]  }
0x101: {  	v23 =	vld [tilespmem:s9+$0xCC70];
	v12 =	vadd.f32 v19, v12  }
0x102: {  	v19 =	vld [tilespmem:s9+$0xCCA0];
	v15 =	vadd.f32 v20, v15  }
0x103: {  	v20 =	vld [tilespmem:s9+$0xCCB0];
	v14 =	vadd.f32 v18, v14;
	v12 =	vadd.f32 v17, v12  }
0x104: {  	v17 =	vld [tilespmem:s9+$0xCCE0];
	v13 =	vadd.f32 v21, v13;
	v15 =	vadd.f32 v16, v15  }
0x105: {  	v16 =	vld [tilespmem:s9+$0xCCF0];
	v14 =	vadd.f32 v22, v14;
	v11 =	vadd.f32 v11, v12  }
0x106: {  	v12 =	vadd.f32 v23, v13;
	v13 =	vld [tilespmem:s9+$0xE520];
	v10 =	vadd.f32 v10, v15  }
0x107: {  	v15 =	vld [tilespmem:s9+$0xE530];
	v14 =	vadd.f32 v19, v14;
	v9 =	vadd.f32 v9, v11  }
0x108: {  	v11 =	vadd.f32 v20, v12;
	v12 =	vld [tilespmem:s9+$0xE560];
	v8 =	vadd.f32 v8, v10  }
0x109: {  	v10 =	vld [tilespmem:s9+$0xE570];
	v14 =	vadd.f32 v17, v14;
	v6 =	vadd.f32 v6, v9  }
0x10a: {  	v9 =	vadd.f32 v16, v11;
	v11 =	vld [tilespmem:s9+$0xE5A0];
	v7 =	vadd.f32 v7, v8  }
0x10b: {  	v8 =	vld [tilespmem:s9+$0xE5B0];
	v13 =	vadd.f32 v13, v14;
	v4 =	vadd.f32 v4, v6  }
0x10c: {  	v6 =	vadd.f32 v15, v9;
	v9 =	vld [tilespmem:s9+$0xE5E0];
	v5 =	vadd.f32 v5, v7  }
0x10d: {  	v7 =	vld [tilespmem:s9+$0xE5F0];
	v12 =	vadd.f32 v12, v13;
	v2 =	vadd.f32 v2, v4  }
0x10e: {  	v4 =	vadd.f32 v10, v6;
	v3 =	vadd.f32 v3, v5  }
0x10f: {  	v5 =	vadd.f32 v11, v12;
	v0 =	vadd.f32 v0, v2  }
0x110: {  	v2 =	vadd.f32 v8, v4;
	v1 =	vadd.f32 v1, v3  }
0x111: {  	v3 =	vadd.f32 v9, v5;
	[tilespmem:s1+$0x13080] =	vst v0  }
0x112: {  	v0 =	vadd.f32 v7, v2;
	[tilespmem:s1+$0x13090] =	vst v1  }
0x113: {  	[tilespmem:s1+$0x130A0] =	vst v3  }
0x114: {  	[tilespmem:s1+$0x130B0] =	vst v0  }
0x115: {  	_ =	swait.ge [sflag:s28], $0x1900  }
0x116: {  	[sflag:s28] =	ssyncset.done $0x0  }
0x117: {  	[sflag:s28] =	ssyncadd.s32 $0xFFFFE700  }
0x118: {  	_ =	swait.ge [sflag:s28], $0x1900  }
0x119: {  	s10 =	simm.s32 @!p0 $0x64;
	[sflag:s28] =	ssyncset.done $0x0  }
0x11a: {  	s11 =	simm.s32 @!p0 $0xFE00;
	s9 =	sadd.s32 @!p0 $0x5B0, s0;
	[sflag:s28] =	ssyncadd.s32 $0xFFFFE700  }
0x11b: {  	[tilespmem:s11], [sflag:$0x4] =	stream.indirect.gather @!p0 [hbm4b:s3+s10], $0x40, s9, s10, $0xb8;
	[tilespmem:$0x15000] =	vst v63  }
0x11c: {  	s0 =	sadd.s32 @!p0 $0x618, s0;
	s9 =	simm.s32 @!p0 $0x11700  }
0x11d: {  	[tilespmem:s9], [sflag:$0x4] =	stream.indirect.gather @!p0 [hbm4b:s3+s10], $0x40, s0, s10, $0xb8;
	[tilespmem:$0x15000] =	vst v63  }
0x11e: {  	s0 =	simm.s32 $0x0  }
0x11f: {  	v0 =	vld [tilespmem:s0+$0x117C0]  }
0x120: {  	v1 =	vld [tilespmem:s0+$0x117D0]  }
0x121: {  	v2 =	vld [tilespmem:s0+$0x11780]  }
0x122: {  	v3 =	vld [tilespmem:s0+$0x11790]  }
0x123: {  	v4 =	vld [tilespmem:s0+$0x11740]  }
0x124: {  	v5 =	vld [tilespmem:s0+$0x11750]  }
0x125: {  	v6 =	vld [tilespmem:s0+$0x11700]  }
0x126: {  	v7 =	vld [tilespmem:s0+$0x11710]  }
0x127: {  	v9 =	vld [tilespmem:s0+$0xFEC0]  }
0x128: {  	v8 =	vld [tilespmem:s0+$0xFED0]  }
0x129: {  	v11 =	vld [tilespmem:s0+$0xFE80]  }
0x12a: {  	v10 =	vld [tilespmem:s0+$0xFE90]  }
0x12b: {  	v17 =	vld [tilespmem:s0+$0xFE40]  }
0x12c: {  	v16 =	vld [tilespmem:s0+$0xFE50]  }
0x12d: {  	v19 =	vld [tilespmem:s0+$0xFE00]  }
0x12e: {  	v14 =	vimm.f32 $0.0e+00;
	v20 =	vld [tilespmem:s0+$0xFE10]  }
0x12f: {  	v15 =	vimm.f32 $0.0e+00;
	v13 =	vimm.f32 $0.0e+00;
	v12 =	vimm.f32 $0.0e+00;
	s9 =	simm.s32 $0x400;
	v18 =	vld [tilespmem:s0+$0xFE20]  }
.LBB2_9:
0x130: {  	p0 =	sne.s32 s9, $0x6000;
	v21 =	vld [tilespmem:s0+$0xFE30]  }
0x131: {  	v22 =	vld [tilespmem:s0+$0xFE60]  }
0x132: {  	v23 =	vld [tilespmem:s0+$0xFE70]  }
0x133: {  	v24 =	vld [tilespmem:s0+$0xFEA0]  }
0x134: {  	v12 =	vadd.f32 v19, v12;
	v15 =	vadd.f32 v20, v15;
	v19 =	vld [tilespmem:s0+$0xFEB0]  }
0x135: {  	v14 =	vadd.f32 v18, v14;
	v13 =	vadd.f32 v21, v13;
	v18 =	vld [tilespmem:s0+$0xFEE0]  }
0x136: {  	v12 =	vadd.f32 v17, v12;
	v15 =	vadd.f32 v16, v15;
	v16 =	vld [tilespmem:s0+$0xFEF0]  }
0x137: {  	v14 =	vadd.f32 v22, v14;
	v13 =	vadd.f32 v23, v13;
	v17 =	vld [tilespmem:s0+$0x11720]  }
0x138: {  	v11 =	vadd.f32 v11, v12;
	v10 =	vadd.f32 v10, v15;
	v12 =	vld [tilespmem:s0+$0x11730]  }
0x139: {  	v14 =	vadd.f32 v24, v14;
	v13 =	vadd.f32 v19, v13;
	v15 =	vld [tilespmem:s0+$0x11760]  }
0x13a: {  	v9 =	vadd.f32 v9, v11;
	v8 =	vadd.f32 v8, v10;
	v10 =	vld [tilespmem:s0+$0x11770]  }
0x13b: {  	v11 =	vadd.f32 v18, v14;
	v13 =	vadd.f32 v16, v13;
	v14 =	vld [tilespmem:s0+$0x117A0]  }
0x13c: {  	v6 =	vadd.f32 v6, v9;
	v7 =	vadd.f32 v7, v8;
	v8 =	vld [tilespmem:s0+$0x117B0]  }
0x13d: {  	v9 =	vadd.f32 v17, v11;
	v11 =	vadd.f32 v12, v13;
	v13 =	vld [tilespmem:s0+$0x117E0]  }
0x13e: {  	v4 =	vadd.f32 v4, v6;
	v5 =	vadd.f32 v5, v7;
	v6 =	vld [tilespmem:s0+$0x117F0];
	s0 =	sshra.s32 s9, $0x2  }
0x13f: {  	v9 =	vadd.f32 v15, v9;
	v7 =	vld [tilespmem:s0+$0x117C0];
	v10 =	vadd.f32 v10, v11  }
0x140: {  	v4 =	vadd.f32 v2, v4;
	v5 =	vadd.f32 v3, v5;
	v11 =	vld [tilespmem:s0+$0x117D0]  }
0x141: {  	v9 =	vadd.f32 v14, v9;
	v2 =	vld [tilespmem:s0+$0x11780];
	v8 =	vadd.f32 v8, v10  }
0x142: {  	v12 =	vadd.f32 v0, v4;
	v15 =	vadd.f32 v1, v5;
	v3 =	vld [tilespmem:s0+$0x11790]  }
0x143: {  	v14 =	vadd.f32 v13, v9;
	v4 =	vld [tilespmem:s0+$0x11740];
	v13 =	vadd.f32 v6, v8  }
0x144: {  	v5 =	vld [tilespmem:s0+$0x11750];
	v0 =	vmov v7  }
0x145: {  	v6 =	vld [tilespmem:s0+$0x11700];
	v1 =	vmov v11  }
0x146: {  	v7 =	vld [tilespmem:s0+$0x11710]  }
0x147: {  	v9 =	vld [tilespmem:s0+$0xFEC0]  }
0x148: {  	v8 =	vld [tilespmem:s0+$0xFED0]  }
0x149: {  	v11 =	vld [tilespmem:s0+$0xFE80]  }
0x14a: {  	v10 =	vld [tilespmem:s0+$0xFE90]  }
.Ltmp3:
0x14b: {  	v17 =	vld [tilespmem:s0+$0xFE40];
	(pc) =	sbr.rel @p0 .LBB2_9-.Ltmp3, $4  }
0x14c: {  	v16 =	vld [tilespmem:s0+$0xFE50]  }
0x14d: {  	v19 =	vld [tilespmem:s0+$0xFE00]  }
0x14e: {  	v20 =	vld [tilespmem:s0+$0xFE10]  }
0x14f: {  	s9 =	sadd.s32 $0x400, s9;
	v18 =	vld [tilespmem:s0+$0xFE20]  }
0x150: {  	v21 =	vld [tilespmem:s0+$0xFE30]  }
0x151: {  	v22 =	vld [tilespmem:s0+$0xFE60]  }
0x152: {  	v23 =	vld [tilespmem:s0+$0xFE70];
	v12 =	vadd.f32 v19, v12  }
0x153: {  	v43 =	vld [tilespmem:s0+$0xFEA0];
	v15 =	vadd.f32 v20, v15  }
0x154: {  	v44 =	vld [tilespmem:s0+$0xFEB0];
	v14 =	vadd.f32 v18, v14;
	v12 =	vadd.f32 v17, v12  }
0x155: {  	v45 =	vld [tilespmem:s0+$0xFEE0];
	v13 =	vadd.f32 v21, v13;
	v15 =	vadd.f32 v16, v15  }
0x156: {  	v46 =	vld [tilespmem:s0+$0xFEF0];
	v14 =	vadd.f32 v22, v14;
	v11 =	vadd.f32 v11, v12  }
0x157: {  	v48 =	vld [tilespmem:s0+$0x11720];
	v47 =	vadd.f32 v23, v13;
	v10 =	vadd.f32 v10, v15  }
0x158: {  	v49 =	vld [tilespmem:s0+$0x11730];
	v14 =	vadd.f32 v43, v14;
	v9 =	vadd.f32 v9, v11  }
0x159: {  	v51 =	vld [tilespmem:s0+$0x11760];
	v50 =	vadd.f32 v44, v47;
	v8 =	vadd.f32 v8, v10  }
0x15a: {  	v52 =	vld [tilespmem:s0+$0x11770];
	v14 =	vadd.f32 v45, v14;
	v6 =	vadd.f32 v6, v9  }
0x15b: {  	v54 =	vld [tilespmem:s0+$0x117A0];
	v53 =	vadd.f32 v46, v50;
	v7 =	vadd.f32 v7, v8  }
0x15c: {  	v55 =	vld [tilespmem:s0+$0x117B0];
	v13 =	vadd.f32 v48, v14;
	v4 =	vadd.f32 v4, v6  }
0x15d: {  	v57 =	vld [tilespmem:s0+$0x117E0];
	v56 =	vadd.f32 v49, v53;
	v5 =	vadd.f32 v5, v7  }
0x15e: {  	v58 =	vld [tilespmem:s0+$0x117F0];
	v12 =	vadd.f32 v51, v13;
	v2 =	vadd.f32 v2, v4  }
0x15f: {  	s31 =	sadd.s32 $0x1, s31;
	v59 =	vadd.f32 v52, v56;
	v3 =	vadd.f32 v3, v5  }
0x160: {  	p0 =	sne.s32 s31, $0x20;
	v60 =	vadd.f32 v54, v12;
	v0 =	vadd.f32 v0, v2  }
.Ltmp4:
0x161: {  	v61 =	vadd.f32 v55, v59;
	v1 =	vadd.f32 v1, v3;
	(pc) =	sbr.rel @p0 .LBB2_2-.Ltmp4, $4  }
0x162: {  	v62 =	vadd.f32 v57, v60;
	[tilespmem:s1+$0x130C0] =	vst v0  }
0x163: {  	v63 =	vadd.f32 v58, v61;
	[tilespmem:s1+$0x130D0] =	vst v1  }
0x164: {  	[tilespmem:s1+$0x130E0] =	vst v62  }
0x165: {  	[tilespmem:s1+$0x130F0] =	vst v63  }
0x166: {  	s30 =	sadd.s32 $0x1, s30  }
0x167: {  	p0 =	sne.s32 s30, s6  }
.Ltmp5:
0x168: {  	_ = 	snop;
	(pc) =	sbr.rel @p0 .LBB2_1-.Ltmp5, $4  }
0x169: {  	[hbm4b:s5+s2] =	stream.linear.scatter [tilespmem:s29], [sflag:$0x5], $0x2000, $0x38;
	[tilespmem:$0x15000] =	vst v63  }
0x16a: {  	_ =	swait.ge [sflag:s7], $0x2000  }
0x16b: {  	[sflag:s7] =	ssyncset.done $0x0  }
0x16c: {  	[sflag:s7] =	ssyncadd.s32 $0xFFFFE000  }
0x16d: {  	_ =	sfence.sel $0x180000  }
0x16e: {  	[bflag:$0x0] =	sbarrier.arrive $0xFFFF  }
0x16f: {  	_ =	strace $0x90000047  }
0x170: {  	s0 =	stileid.u32;
	[bflag:$0x2] =	sbarrier.arrive $0xFFFF  }
0x171: {  	p0 =	sne.s32 s0, $0x0;
	s0 =	rddreg [dreg:$0x2]  }
0x172: {  	s0 =	sadd.s32 @!p0 $0x100000, s0  }
0x173: {  	[sflag:s0] =	ssyncadd.tile.s32 @!p0 $0x1;
	_ =	shalt  }
.Lfunc_end2:
_tile_overlayer_lowered:
.L_overlay_start_2:
0x174: {  	(tag) =	ssettag $0x2  }
0x175: {  	s0 =	rddreg [dreg:$0x0];
	s2 =	stileid.u32  }
0x176: {  	s1 =	rddreg [dreg:$0x1];
	p0 =	sne.s32 s2, $0x0  }
0x177: {  	s3 =	rddreg [dreg:$0x2];
	[bflag:$0x3] =	sbarrier.arrive $0xFFFF;
	s2 =	simm.s32 @!p0 $0x1C05  }
0x178: {  	[timem:s3], [sflag:s2] =	dma.local @!p0 [hbm:s0], s1  }
0x179: {  	s0 =	simm.s32 @!p0 $0x5  }
0x17a: {  	_ =	swait.ge @!p0 [sflag:s0], s1  }
0x17b: {  	s1 =	ssub.s32 @!p0 $0x0, s1;
	[sflag:s0] =	ssyncset.done @!p0 $0x0  }
0x17c: {  	[sflag:s0] =	ssyncadd.s32 @!p0 s1  }
0x17d: {  	[bflag:$0x3] =	sbarrier.arrive $0xFFFF  }
0x17e: {  	_ =	shalt  }

</sc_bundles>
